<compile_context>
chip_gen: v7x
topology: tpu7x:2x2x1
jax: 0.10.2.dev20260603
libtpu: 0.0.44.dev20260713+nightly
codegen_flags: <defaults>
</compile_context>

<pallas_src>
import functools

import jax
import jax.numpy as jnp
from jax import lax
from jax.experimental import pallas as pl
from jax.experimental.pallas import tpu as pltpu
from jax.experimental.pallas import tpu_sc as plsc

NC = 2
NS = 16
NW = NC * NS
CH = 128
NBUF = 2


def _mesh():
    return plsc.VectorSubcoreMesh(
        core_axis_name="c", subcore_axis_name="s", num_cores=NC, num_subcores=NS
    )


def _make_deg(n_pad, e_pad):
    epw = e_pad // NW
    n_chunks = epw // CH
    rows_per_sub = n_pad // NS
    grp = 8

    @functools.partial(
        pl.kernel,
        out_type=jax.ShapeDtypeStruct((2 * n_pad, 128), jnp.float32),
        mesh=_mesh(),
        scratch_types=[
            pltpu.VMEM((n_chunks, CH), jnp.int32),
            pltpu.VMEM((CH, 128), jnp.float32),
            pltpu.VMEM_SHARED((n_pad, 128), jnp.float32),
            pltpu.SemaphoreType.DMA,
        ],
    )
    def deg_kernel(dst_hbm, ones_hbm, z_hbm, out_hbm, didx, ones_v, acc, sem):
        c = lax.axis_index("c")
        s = lax.axis_index("s")
        wid = c * NS + s
        r0 = s * rows_per_sub
        row_slc = pl.ds(r0, rows_per_sub)
        pltpu.sync_copy(z_hbm.at[row_slc], acc.at[row_slc])
        pltpu.sync_copy(ones_hbm, ones_v)
        pltpu.sync_copy(dst_hbm.at[pl.ds(wid * n_chunks, n_chunks)], didx)
        plsc.subcore_barrier()

        @pl.loop(0, n_chunks, step=grp)
        def _(g):
            for j in range(grp):
                pltpu.sync_copy(ones_v, acc.at[didx.at[g + j]], add=True)

        plsc.subcore_barrier()
        pltpu.sync_copy(
            acc.at[row_slc], out_hbm.at[pl.ds(c * n_pad + r0, rows_per_sub)]
        )

    return deg_kernel


def _make_prop(n_pad, e_pad, d):
    epw = e_pad // NW
    n_chunks = epw // CH
    rows_per_sub = n_pad // NS

    @functools.partial(
        pl.kernel,
        out_type=jax.ShapeDtypeStruct((2 * n_pad, d), jnp.float32),
        mesh=_mesh(),
        scratch_types=[
            pltpu.VMEM((CH,), jnp.int32),
            pltpu.VMEM((CH,), jnp.int32),
            pltpu.VMEM((CH, d), jnp.float32),
            pltpu.VMEM_SHARED((n_pad, d), jnp.float32),
        ],
    )
    def prop_kernel(s_hbm, src_hbm, dst_hbm, z_hbm, out_hbm,
                    sidx, didx, rows, acc):
        c = lax.axis_index("c")
        s = lax.axis_index("s")
        wid = c * NS + s
        r0 = s * rows_per_sub
        row_slc = pl.ds(r0, rows_per_sub)
        pltpu.sync_copy(z_hbm.at[row_slc], acc.at[row_slc])
        plsc.subcore_barrier()

        base = wid * epw

        @pl.loop(0, n_chunks)
        def _(t):
            off = base + t * CH
            pltpu.sync_copy(src_hbm.at[pl.ds(off, CH)], sidx)
            pltpu.sync_copy(dst_hbm.at[pl.ds(off, CH)], didx)
            pltpu.sync_copy(s_hbm.at[sidx], rows)
            pltpu.sync_copy(rows, acc.at[didx], add=True)

        plsc.subcore_barrier()
        pltpu.sync_copy(
            acc.at[row_slc], out_hbm.at[pl.ds(c * n_pad + r0, rows_per_sub)]
        )

    return prop_kernel


def _dinv_block(d0, d1):
    deg = d0[:, 0:1] + d1[:, 0:1] + 1.0
    return lax.rsqrt(jnp.maximum(deg, 1.0))


def _tc1_body(x_ref, d0_ref, d1_ref, o_ref):
    o_ref[...] = x_ref[...] * _dinv_block(d0_ref[...], d1_ref[...])


def _tc2_body(a0_ref, a1_ref, s1_ref, d0_ref, d1_ref, w1_ref, b1_ref, w2_ref,
              o_ref):
    dinv = _dinv_block(d0_ref[...], d1_ref[...])
    p1 = (a0_ref[...] + a1_ref[...] + s1_ref[...]) * dinv
    h1 = jax.nn.relu(
        jnp.dot(p1, w1_ref[...], preferred_element_type=jnp.float32)
        + b1_ref[...]
    )
    m2 = jnp.dot(h1, w2_ref[...], preferred_element_type=jnp.float32)
    o_ref[...] = m2 * dinv


def _tc3_body(a0_ref, a1_ref, s2_ref, d0_ref, d1_ref, b2_ref, o_ref):
    dinv = _dinv_block(d0_ref[...], d1_ref[...])
    p2 = (a0_ref[...] + a1_ref[...] + s2_ref[...]) * dinv
    h2 = jax.nn.relu(p2 + b2_ref[...])
    o_ref[...] = h2 * dinv


def _tc4_body(a0_ref, a1_ref, s3_ref, d0_ref, d1_ref, w3_ref, b3_ref, wd1_ref,
              bd1_ref, wd2_ref, bd2_ref, recon_ref, z_ref):
    dinv = _dinv_block(d0_ref[...], d1_ref[...])
    p3 = (a0_ref[...] + a1_ref[...] + s3_ref[...]) * dinv
    z = (
        jnp.dot(p3, w3_ref[...], preferred_element_type=jnp.float32)
        + b3_ref[...]
    )
    h = jax.nn.relu(
        jnp.dot(z, wd1_ref[...], preferred_element_type=jnp.float32)
        + bd1_ref[...]
    )
    recon_ref[...] = (
        jnp.dot(h, wd2_ref[...], preferred_element_type=jnp.float32)
        + bd2_ref[...]
    )
    z_ref[...] = z


def _row_spec(rows, cols):
    return pl.BlockSpec((rows, cols), lambda i: (i, 0))


def _full_spec(shape):
    return pl.BlockSpec(shape, lambda i: tuple(0 for _ in shape))


def kernel(x, edge_index, W1, b1, W2, b2, W3, b3, Wd1, bd1, Wd2, bd2):
    n, d_in = x.shape
    e = edge_index.shape[1]
    h1_w = W1.shape[1]
    h2_w = W2.shape[1]
    lat = W3.shape[1]
    f32 = jnp.float32

    blk = 1024
    n_pad = ((n + blk - 1) // blk) * blk
    edges_per_round = NW * CH * NBUF
    e_pad = ((e + edges_per_round - 1) // edges_per_round) * edges_per_round

    x_p = jnp.pad(x, ((0, n_pad - n), (0, 0)))
    pad_idx = (
        jnp.arange(e_pad - e, dtype=jnp.int32) % (n_pad - n) + n
    )
    src_p = jnp.concatenate([edge_index[0], pad_idx])
    dst_p = jnp.concatenate([edge_index[1], pad_idx])
    dst2d = dst_p.reshape(e_pad // CH, CH)
    ones128 = jnp.ones((CH, 128), f32)
    zeros_in = jnp.zeros((n_pad, d_in), f32)
    b1r = b1.reshape(1, -1)
    b2r = b2.reshape(1, -1)
    b3r = b3.reshape(1, -1)
    bd1r = bd1.reshape(1, -1)
    bd2r = bd2.reshape(1, -1)

    grid = (n_pad // blk,)
    hoff = n_pad // blk

    def _half_spec(cols, half):
        return pl.BlockSpec((blk, cols), lambda i, h=half: (i + h * hoff, 0))

    degs = _make_deg(n_pad, e_pad)(dst2d, ones128, zeros_in)

    s1 = pl.pallas_call(
        _tc1_body,
        grid=grid,
        in_specs=[
            _row_spec(blk, d_in),
            _half_spec(128, 0),
            _half_spec(128, 1),
        ],
        out_specs=_row_spec(blk, d_in),
        out_shape=jax.ShapeDtypeStruct((n_pad, d_in), f32),
    )(x_p, degs, degs)

    prop_in = _make_prop(n_pad, e_pad, d_in)

    accs = prop_in(s1, src_p, dst_p, zeros_in)

    s2 = pl.pallas_call(
        _tc2_body,
        grid=grid,
        in_specs=[
            _half_spec(d_in, 0),
            _half_spec(d_in, 1),
            _row_spec(blk, d_in),
            _half_spec(128, 0),
            _half_spec(128, 1),
            _full_spec((d_in, h1_w)),
            _full_spec((1, h1_w)),
            _full_spec((h1_w, h2_w)),
        ],
        out_specs=_row_spec(blk, h2_w),
        out_shape=jax.ShapeDtypeStruct((n_pad, h2_w), f32),
    )(accs, accs, s1, degs, degs, W1, b1r, W2)

    prop_mid = prop_in if h2_w == d_in else _make_prop(n_pad, e_pad, h2_w)
    zeros_mid = zeros_in if h2_w == d_in else jnp.zeros((n_pad, h2_w), f32)
    accs = prop_mid(s2, src_p, dst_p, zeros_mid)

    s3 = pl.pallas_call(
        _tc3_body,
        grid=grid,
        in_specs=[
            _half_spec(h2_w, 0),
            _half_spec(h2_w, 1),
            _row_spec(blk, h2_w),
            _half_spec(128, 0),
            _half_spec(128, 1),
            _full_spec((1, h2_w)),
        ],
        out_specs=_row_spec(blk, h2_w),
        out_shape=jax.ShapeDtypeStruct((n_pad, h2_w), f32),
    )(accs, accs, s2, degs, degs, b2r)

    accs = prop_mid(s3, src_p, dst_p, zeros_mid)

    recon_p, z_p = pl.pallas_call(
        _tc4_body,
        grid=grid,
        in_specs=[
            _half_spec(h2_w, 0),
            _half_spec(h2_w, 1),
            _row_spec(blk, h2_w),
            _half_spec(128, 0),
            _half_spec(128, 1),
            _full_spec((h2_w, lat)),
            _full_spec((1, lat)),
            _full_spec((lat, h2_w)),
            _full_spec((1, h2_w)),
            _full_spec((h2_w, d_in)),
            _full_spec((1, d_in)),
        ],
        out_specs=[
            _row_spec(blk, d_in),
            _row_spec(blk, lat),
        ],
        out_shape=[
            jax.ShapeDtypeStruct((n_pad, d_in), f32),
            jax.ShapeDtypeStruct((n_pad, lat), f32),
        ],
    )(accs, accs, s3, degs, degs, W3, b3r, Wd1, bd1r, Wd2, bd2r)

    return (recon_p[:n], z_p[:n])

# --- scband reference (transcript-rebuilt; emitter-appended) ---
"""Pipeline reference for scband-gnnautoencoder-47090021433534 (READ-ONLY COPY).

The authoritative reference and input builder live on the scoring server;
editing this copy changes nothing except your own understanding.
"""

import jax, jax.numpy as jnp
import numpy as np

N = 10000
E = 320000
D_IN = 128
H1, H2, LAT = 256, 128, 64


def setup_inputs(seed: int = 0) -> dict:
    key = jax.random.key(seed)
    ks = jax.random.split(key, 12)
    x = jax.random.normal(ks[0], (N, D_IN), dtype=jnp.float32)
    edge_index = jax.random.randint(ks[1], (2, E), 0, N, dtype=jnp.int32)
    def lin(k, fi, fo):
        return jax.random.normal(k, (fi, fo), dtype=jnp.float32) * (1.0 / np.sqrt(fi))
    W1 = lin(ks[2], D_IN, H1); b1 = jnp.zeros((H1,), jnp.float32)
    W2 = lin(ks[3], H1, H2); b2 = jnp.zeros((H2,), jnp.float32)
    W3 = lin(ks[4], H2, LAT); b3 = jnp.zeros((LAT,), jnp.float32)
    Wd1 = lin(ks[5], LAT, H2); bd1 = jnp.zeros((H2,), jnp.float32)
    Wd2 = lin(ks[6], H2, D_IN); bd2 = jnp.zeros((D_IN,), jnp.float32)
    return {"x": x, "edge_index": edge_index, "W1": W1, "b1": b1, "W2": W2, "b2": b2, "W3": W3, "b3": b3, "Wd1": Wd1, "bd1": bd1, "Wd2": Wd2, "bd2": bd2}


def _gcn_conv(x, edge_index, W, b):
    # torch_geometric GCNConv: add self-loops, symmetric deg^-1/2 normalization
    src = edge_index[0]
    dst = edge_index[1]
    loop = jnp.arange(N, dtype=src.dtype)
    src = jnp.concatenate([src, loop])
    dst = jnp.concatenate([dst, loop])
    deg = jnp.zeros((N,), x.dtype).at[dst].add(1.0)
    dinv = jax.lax.rsqrt(jnp.maximum(deg, 1.0))
    norm = dinv[src] * dinv[dst]
    h = x @ W
    msg = h[src] * norm[:, None]
    out = jnp.zeros((N, W.shape[1]), x.dtype).at[dst].add(msg)
    return out + b


def reference(x, edge_index, W1, b1, W2, b2, W3, b3, Wd1, bd1, Wd2, bd2):
    # encoder: GCN -> ReLU -> (dropout eval noop) -> GCN -> ReLU -> GCN(latent)
    h = jax.nn.relu(_gcn_conv(x, edge_index, W1, b1))
    h = jax.nn.relu(_gcn_conv(h, edge_index, W2, b2))
    z = _gcn_conv(h, edge_index, W3, b3)
    # decoder: Linear -> ReLU -> Linear
    recon = jax.nn.relu(z @ Wd1 + bd1) @ Wd2 + bd2
    return (recon, z)

if __name__ == "__main__":
    import jax
    _d = setup_inputs()
    print(jax.jit(kernel)(*tuple(_d.values())))

</pallas_src>

<mosaic_0001>
#map = affine_map<(d0, d1) -> (0, 0)>
#map1 = affine_map<(d0, d1) -> (0)>
module attributes {stable_mosaic.version = 14 : i64} {
  func.func @prop_kernel(%arg0: i32, %arg1: i32, %arg2: memref<10240x128xf32, #tpu.memory_space<hbm>>, %arg3: memref<327680xi32, #tpu.memory_space<hbm>>, %arg4: memref<327680xi32, #tpu.memory_space<hbm>>, %arg5: memref<10240x128xf32, #tpu.memory_space<hbm>>, %arg6: memref<20480x128xf32, #tpu.memory_space<hbm>>, %arg7: memref<128xi32, #tpu.memory_space<vmem>>, %arg8: memref<128xi32, #tpu.memory_space<vmem>>, %arg9: memref<128x128xf32, #tpu.memory_space<vmem>>, %arg10: memref<10240x128xf32, #tpu.memory_space<vmem_shared>>) attributes {dimension_semantics = [#tpu.dimension_semantics<core_parallel>, #tpu.dimension_semantics<subcore_parallel>], iteration_bounds = array<i64: 2, 16>, scalar_prefetch = 0 : i64, scratch_operands = 4 : i64, tpu.core_type = #tpu.core_type<sc_vector_subcore>, window_params = [{transform_indices = #map}, {transform_indices = #map1}, {transform_indices = #map1}, {transform_indices = #map}, {transform_indices = #map}]} {
    %mul3A = arith.constant 16 : i32
    %mul3A_0 = arith.muli %arg0, %mul3A : i32
    %add3A = arith.addi %mul3A_0, %arg1 : i32
    %mul3A_1 = arith.constant 640 : i32
    %mul3A_2 = arith.muli %arg1, %mul3A_1 : i32
    "tpu.region"() ({
      %run_scoped3A = tpu.sem_alloc : memref<!tpu.dma_semaphore, #tpu.memory_space<semaphore_mem>>
      %dma_start3A = arith.constant 0 : i32
      %dma_start3A_13 = tpu.memref_slice %arg10[%mul3A_2, %dma_start3A] : memref<10240x128xf32, #tpu.memory_space<vmem_shared>> -> memref<640x128xf32, #tpu.memory_space<vmem_shared>>
      %dma_start3A_14 = arith.constant 0 : i32
      %dma_start3A_15 = tpu.memref_slice %arg5[%mul3A_2, %dma_start3A_14] : memref<10240x128xf32, #tpu.memory_space<hbm>> -> memref<640x128xf32, #tpu.memory_space<hbm>>
      tpu.enqueue_dma source(%dma_start3A_15 : memref<640x128xf32, #tpu.memory_space<hbm>>) target(%dma_start3A_13 : memref<640x128xf32, #tpu.memory_space<vmem_shared>>) target_semaphore(%run_scoped3A : memref<!tpu.dma_semaphore, #tpu.memory_space<semaphore_mem>>)
      %dma_wait3A = arith.constant 0 : i32
      %dma_wait3A_16 = tpu.memref_slice %arg10[%mul3A_2, %dma_wait3A] : memref<10240x128xf32, #tpu.memory_space<vmem_shared>> -> memref<640x128xf32, #tpu.memory_space<vmem_shared>>
      %dma_wait3A_17 = arith.constant 0 : i32
      %dma_wait3A_18 = tpu.memref_slice %arg5[%mul3A_2, %dma_wait3A_17] : memref<10240x128xf32, #tpu.memory_space<hbm>> -> memref<640x128xf32, #tpu.memory_space<hbm>>
      tpu.wait_dma2 semaphore(%run_scoped3A : memref<!tpu.dma_semaphore, #tpu.memory_space<semaphore_mem>>) src(%dma_wait3A_18 : memref<640x128xf32, #tpu.memory_space<hbm>>) dst(%dma_wait3A_16 : memref<640x128xf32, #tpu.memory_space<vmem_shared>>)
      tpu.yield
    }) : () -> ()
    %barrier3A = arith.constant 0 : index
    tpu.barrier barrier_id(%barrier3A)
    %mul3A_3 = arith.constant 10240 : i32
    %mul3A_4 = arith.muli %add3A, %mul3A_3 : i32
    %scan3A = arith.constant 0 : i32
    %scan3A_5 = arith.constant 80 : i32
    %scan3A_6 = arith.addi %scan3A, %scan3A_5 : i32
    %scan3A_7 = arith.constant 1 : i32
    scf.for %scan3A_13 = %scan3A to %scan3A_6 step %scan3A_7  : i32 {
      %mul3A_14 = arith.constant 1 : i32
      %mul3A_15 = arith.muli %scan3A_13, %mul3A_14 : i32
      %add3A_16 = arith.constant 0 : i32
      %add3A_17 = arith.addi %add3A_16, %mul3A_15 : i32
      %mul3A_18 = arith.constant 128 : i32
      %mul3A_19 = arith.muli %add3A_17, %mul3A_18 : i32
      %add3A_20 = arith.addi %mul3A_4, %mul3A_19 : i32
      "tpu.region"() ({
        %run_scoped3A = tpu.sem_alloc : memref<!tpu.dma_semaphore, #tpu.memory_space<semaphore_mem>>
        %dma_start3A = tpu.memref_slice %arg3[%add3A_20] : memref<327680xi32, #tpu.memory_space<hbm>> -> memref<128xi32, #tpu.memory_space<hbm>>
        %dma_start3A_21 = tpu.memref_slice %arg3[%add3A_20] : memref<327680xi32, #tpu.memory_space<hbm>> -> memref<128xi32, #tpu.memory_space<hbm>>
        tpu.enqueue_dma source(%dma_start3A_21 : memref<128xi32, #tpu.memory_space<hbm>>) target(%arg7 : memref<128xi32, #tpu.memory_space<vmem>>) target_semaphore(%run_scoped3A : memref<!tpu.dma_semaphore, #tpu.memory_space<semaphore_mem>>)
        %dma_wait3A = tpu.memref_slice %arg3[%add3A_20] : memref<327680xi32, #tpu.memory_space<hbm>> -> memref<128xi32, #tpu.memory_space<hbm>>
        %dma_wait3A_22 = tpu.memref_slice %arg3[%add3A_20] : memref<327680xi32, #tpu.memory_space<hbm>> -> memref<128xi32, #tpu.memory_space<hbm>>
        tpu.wait_dma2 semaphore(%run_scoped3A : memref<!tpu.dma_semaphore, #tpu.memory_space<semaphore_mem>>) src(%dma_wait3A_22 : memref<128xi32, #tpu.memory_space<hbm>>) dst(%arg7 : memref<128xi32, #tpu.memory_space<vmem>>)
        tpu.yield
      }) : () -> ()
      "tpu.region"() ({
        %run_scoped3A = tpu.sem_alloc : memref<!tpu.dma_semaphore, #tpu.memory_space<semaphore_mem>>
        %dma_start3A = tpu.memref_slice %arg4[%add3A_20] : memref<327680xi32, #tpu.memory_space<hbm>> -> memref<128xi32, #tpu.memory_space<hbm>>
        %dma_start3A_21 = tpu.memref_slice %arg4[%add3A_20] : memref<327680xi32, #tpu.memory_space<hbm>> -> memref<128xi32, #tpu.memory_space<hbm>>
        tpu.enqueue_dma source(%dma_start3A_21 : memref<128xi32, #tpu.memory_space<hbm>>) target(%arg8 : memref<128xi32, #tpu.memory_space<vmem>>) target_semaphore(%run_scoped3A : memref<!tpu.dma_semaphore, #tpu.memory_space<semaphore_mem>>)
        %dma_wait3A = tpu.memref_slice %arg4[%add3A_20] : memref<327680xi32, #tpu.memory_space<hbm>> -> memref<128xi32, #tpu.memory_space<hbm>>
        %dma_wait3A_22 = tpu.memref_slice %arg4[%add3A_20] : memref<327680xi32, #tpu.memory_space<hbm>> -> memref<128xi32, #tpu.memory_space<hbm>>
        tpu.wait_dma2 semaphore(%run_scoped3A : memref<!tpu.dma_semaphore, #tpu.memory_space<semaphore_mem>>) src(%dma_wait3A_22 : memref<128xi32, #tpu.memory_space<hbm>>) dst(%arg8 : memref<128xi32, #tpu.memory_space<vmem>>)
        tpu.yield
      }) : () -> ()
      "tpu.region"() ({
        %run_scoped3A = tpu.sem_alloc : memref<!tpu.dma_semaphore, #tpu.memory_space<semaphore_mem>>
        %dma_start3A = arith.constant 0 : i32
        %dma_start3A_21 = arith.constant 0 : i32
        %dma_start3A_22 = tpu.memref_slice %arg2[%dma_start3A, %dma_start3A_21] : memref<10240x128xf32, #tpu.memory_space<hbm>> -> memref<10240x128xf32, #tpu.memory_space<hbm>>
        tpu.enqueue_indirect_dma source(%dma_start3A_22 : memref<10240x128xf32, #tpu.memory_space<hbm>>) target(%arg9 : memref<128x128xf32, #tpu.memory_space<vmem>>) offsets(%arg7 : memref<128xi32, #tpu.memory_space<vmem>>) semaphore(%run_scoped3A : memref<!tpu.dma_semaphore, #tpu.memory_space<semaphore_mem>>)
        %dma_wait3A = arith.constant 0 : i32
        %dma_wait3A_23 = arith.constant 0 : i32
        %dma_wait3A_24 = tpu.memref_slice %arg2[%dma_wait3A, %dma_wait3A_23] : memref<10240x128xf32, #tpu.memory_space<hbm>> -> memref<10240x128xf32, #tpu.memory_space<hbm>>
        tpu.wait_indirect_dma semaphore(%run_scoped3A : memref<!tpu.dma_semaphore, #tpu.memory_space<semaphore_mem>>) src(%dma_wait3A_24 : memref<10240x128xf32, #tpu.memory_space<hbm>>) dst(%arg9 : memref<128x128xf32, #tpu.memory_space<vmem>>)
        tpu.yield
      }) : () -> ()
      "tpu.region"() ({
        %run_scoped3A = tpu.sem_alloc : memref<!tpu.dma_semaphore, #tpu.memory_space<semaphore_mem>>
        %dma_start3A = arith.constant 0 : i32
        %dma_start3A_21 = arith.constant 0 : i32
        %dma_start3A_22 = tpu.memref_slice %arg10[%dma_start3A, %dma_start3A_21] : memref<10240x128xf32, #tpu.memory_space<vmem_shared>> -> memref<10240x128xf32, #tpu.memory_space<vmem_shared>>
        tpu.enqueue_indirect_dma source(%arg9 : memref<128x128xf32, #tpu.memory_space<vmem>>) target(%dma_start3A_22 : memref<10240x128xf32, #tpu.memory_space<vmem_shared>>) offsets(%arg8 : memref<128xi32, #tpu.memory_space<vmem>>) semaphore(%run_scoped3A : memref<!tpu.dma_semaphore, #tpu.memory_space<semaphore_mem>>) {add = true}
        %dma_wait3A = arith.constant 0 : i32
        %dma_wait3A_23 = arith.constant 0 : i32
        %dma_wait3A_24 = tpu.memref_slice %arg10[%dma_wait3A, %dma_wait3A_23] : memref<10240x128xf32, #tpu.memory_space<vmem_shared>> -> memref<10240x128xf32, #tpu.memory_space<vmem_shared>>
        tpu.wait_indirect_dma semaphore(%run_scoped3A : memref<!tpu.dma_semaphore, #tpu.memory_space<semaphore_mem>>) src(%arg9 : memref<128x128xf32, #tpu.memory_space<vmem>>) dst(%dma_wait3A_24 : memref<10240x128xf32, #tpu.memory_space<vmem_shared>>)
        tpu.yield
      }) : () -> ()
    }
    %scan3A_8 = arith.constant 80 : i32
    %barrier3A_9 = arith.constant 0 : index
    tpu.barrier barrier_id(%barrier3A_9)
    %mul3A_10 = arith.constant 10240 : i32
    %mul3A_11 = arith.muli %arg0, %mul3A_10 : i32
    %add3A_12 = arith.addi %mul3A_11, %mul3A_2 : i32
    "tpu.region"() ({
      %run_scoped3A = tpu.sem_alloc : memref<!tpu.dma_semaphore, #tpu.memory_space<semaphore_mem>>
      %dma_start3A = arith.constant 0 : i32
      %dma_start3A_13 = tpu.memref_slice %arg6[%add3A_12, %dma_start3A] : memref<20480x128xf32, #tpu.memory_space<hbm>> -> memref<640x128xf32, #tpu.memory_space<hbm>>
      %dma_start3A_14 = arith.constant 0 : i32
      %dma_start3A_15 = tpu.memref_slice %arg10[%mul3A_2, %dma_start3A_14] : memref<10240x128xf32, #tpu.memory_space<vmem_shared>> -> memref<640x128xf32, #tpu.memory_space<vmem_shared>>
      tpu.enqueue_dma source(%dma_start3A_15 : memref<640x128xf32, #tpu.memory_space<vmem_shared>>) target(%dma_start3A_13 : memref<640x128xf32, #tpu.memory_space<hbm>>) target_semaphore(%run_scoped3A : memref<!tpu.dma_semaphore, #tpu.memory_space<semaphore_mem>>)
      %dma_wait3A = arith.constant 0 : i32
      %dma_wait3A_16 = tpu.memref_slice %arg6[%add3A_12, %dma_wait3A] : memref<20480x128xf32, #tpu.memory_space<hbm>> -> memref<640x128xf32, #tpu.memory_space<hbm>>
      %dma_wait3A_17 = arith.constant 0 : i32
      %dma_wait3A_18 = tpu.memref_slice %arg10[%mul3A_2, %dma_wait3A_17] : memref<10240x128xf32, #tpu.memory_space<vmem_shared>> -> memref<640x128xf32, #tpu.memory_space<vmem_shared>>
      tpu.wait_dma2 semaphore(%run_scoped3A : memref<!tpu.dma_semaphore, #tpu.memory_space<semaphore_mem>>) src(%dma_wait3A_18 : memref<640x128xf32, #tpu.memory_space<vmem_shared>>) dst(%dma_wait3A_16 : memref<640x128xf32, #tpu.memory_space<hbm>>)
      tpu.yield
    }) : () -> ()
    return
  }
}

#map = affine_map<(d0, d1) -> (0, 0)>
module attributes {stable_mosaic.version = 14 : i64} {
  func.func @deg_kernel(%arg0: i32, %arg1: i32, %arg2: memref<2560x128xi32, #tpu.memory_space<hbm>>, %arg3: memref<128x128xf32, #tpu.memory_space<hbm>>, %arg4: memref<10240x128xf32, #tpu.memory_space<hbm>>, %arg5: memref<20480x128xf32, #tpu.memory_space<hbm>>, %arg6: memref<80x128xi32, #tpu.memory_space<vmem>>, %arg7: memref<128x128xf32, #tpu.memory_space<vmem>>, %arg8: memref<10240x128xf32, #tpu.memory_space<vmem_shared>>, %arg9: memref<!tpu.dma_semaphore, #tpu.memory_space<semaphore_mem>>) attributes {dimension_semantics = [#tpu.dimension_semantics<core_parallel>, #tpu.dimension_semantics<subcore_parallel>], iteration_bounds = array<i64: 2, 16>, scalar_prefetch = 0 : i64, scratch_operands = 4 : i64, tpu.core_type = #tpu.core_type<sc_vector_subcore>, window_params = [{transform_indices = #map}, {transform_indices = #map}, {transform_indices = #map}, {transform_indices = #map}]} {
    %mul3A = arith.constant 16 : i32
    %mul3A_0 = arith.muli %arg0, %mul3A : i32
    %add3A = arith.addi %mul3A_0, %arg1 : i32
    %mul3A_1 = arith.constant 640 : i32
    %mul3A_2 = arith.muli %arg1, %mul3A_1 : i32
    "tpu.region"() ({
      %run_scoped3A = tpu.sem_alloc : memref<!tpu.dma_semaphore, #tpu.memory_space<semaphore_mem>>
      %dma_start3A = arith.constant 0 : i32
      %dma_start3A_13 = tpu.memref_slice %arg8[%mul3A_2, %dma_start3A] : memref<10240x128xf32, #tpu.memory_space<vmem_shared>> -> memref<640x128xf32, #tpu.memory_space<vmem_shared>>
      %dma_start3A_14 = arith.constant 0 : i32
      %dma_start3A_15 = tpu.memref_slice %arg4[%mul3A_2, %dma_start3A_14] : memref<10240x128xf32, #tpu.memory_space<hbm>> -> memref<640x128xf32, #tpu.memory_space<hbm>>
      tpu.enqueue_dma source(%dma_start3A_15 : memref<640x128xf32, #tpu.memory_space<hbm>>) target(%dma_start3A_13 : memref<640x128xf32, #tpu.memory_space<vmem_shared>>) target_semaphore(%run_scoped3A : memref<!tpu.dma_semaphore, #tpu.memory_space<semaphore_mem>>)
      %dma_wait3A = arith.constant 0 : i32
      %dma_wait3A_16 = tpu.memref_slice %arg8[%mul3A_2, %dma_wait3A] : memref<10240x128xf32, #tpu.memory_space<vmem_shared>> -> memref<640x128xf32, #tpu.memory_space<vmem_shared>>
      %dma_wait3A_17 = arith.constant 0 : i32
      %dma_wait3A_18 = tpu.memref_slice %arg4[%mul3A_2, %dma_wait3A_17] : memref<10240x128xf32, #tpu.memory_space<hbm>> -> memref<640x128xf32, #tpu.memory_space<hbm>>
      tpu.wait_dma2 semaphore(%run_scoped3A : memref<!tpu.dma_semaphore, #tpu.memory_space<semaphore_mem>>) src(%dma_wait3A_18 : memref<640x128xf32, #tpu.memory_space<hbm>>) dst(%dma_wait3A_16 : memref<640x128xf32, #tpu.memory_space<vmem_shared>>)
      tpu.yield
    }) : () -> ()
    "tpu.region"() ({
      %run_scoped3A = tpu.sem_alloc : memref<!tpu.dma_semaphore, #tpu.memory_space<semaphore_mem>>
      tpu.enqueue_dma source(%arg3 : memref<128x128xf32, #tpu.memory_space<hbm>>) target(%arg7 : memref<128x128xf32, #tpu.memory_space<vmem>>) target_semaphore(%run_scoped3A : memref<!tpu.dma_semaphore, #tpu.memory_space<semaphore_mem>>)
      tpu.wait_dma2 semaphore(%run_scoped3A : memref<!tpu.dma_semaphore, #tpu.memory_space<semaphore_mem>>) src(%arg3 : memref<128x128xf32, #tpu.memory_space<hbm>>) dst(%arg7 : memref<128x128xf32, #tpu.memory_space<vmem>>)
      tpu.yield
    }) : () -> ()
    %mul3A_3 = arith.constant 80 : i32
    %mul3A_4 = arith.muli %add3A, %mul3A_3 : i32
    "tpu.region"() ({
      %run_scoped3A = tpu.sem_alloc : memref<!tpu.dma_semaphore, #tpu.memory_space<semaphore_mem>>
      %dma_start3A = arith.constant 0 : i32
      %dma_start3A_13 = tpu.memref_slice %arg2[%mul3A_4, %dma_start3A] : memref<2560x128xi32, #tpu.memory_space<hbm>> -> memref<80x128xi32, #tpu.memory_space<hbm>>
      %dma_start3A_14 = arith.constant 0 : i32
      %dma_start3A_15 = tpu.memref_slice %arg2[%mul3A_4, %dma_start3A_14] : memref<2560x128xi32, #tpu.memory_space<hbm>> -> memref<80x128xi32, #tpu.memory_space<hbm>>
      tpu.enqueue_dma source(%dma_start3A_15 : memref<80x128xi32, #tpu.memory_space<hbm>>) target(%arg6 : memref<80x128xi32, #tpu.memory_space<vmem>>) target_semaphore(%run_scoped3A : memref<!tpu.dma_semaphore, #tpu.memory_space<semaphore_mem>>)
      %dma_wait3A = arith.constant 0 : i32
      %dma_wait3A_16 = tpu.memref_slice %arg2[%mul3A_4, %dma_wait3A] : memref<2560x128xi32, #tpu.memory_space<hbm>> -> memref<80x128xi32, #tpu.memory_space<hbm>>
      %dma_wait3A_17 = arith.constant 0 : i32
      %dma_wait3A_18 = tpu.memref_slice %arg2[%mul3A_4, %dma_wait3A_17] : memref<2560x128xi32, #tpu.memory_space<hbm>> -> memref<80x128xi32, #tpu.memory_space<hbm>>
      tpu.wait_dma2 semaphore(%run_scoped3A : memref<!tpu.dma_semaphore, #tpu.memory_space<semaphore_mem>>) src(%dma_wait3A_18 : memref<80x128xi32, #tpu.memory_space<hbm>>) dst(%arg6 : memref<80x128xi32, #tpu.memory_space<vmem>>)
      tpu.yield
    }) : () -> ()
    %barrier3A = arith.constant 0 : index
    tpu.barrier barrier_id(%barrier3A)
    %scan3A = arith.constant 0 : i32
    %scan3A_5 = arith.constant 10 : i32
    %scan3A_6 = arith.addi %scan3A, %scan3A_5 : i32
    %scan3A_7 = arith.constant 1 : i32
    scf.for %scan3A_13 = %scan3A to %scan3A_6 step %scan3A_7  : i32 {
      %mul3A_14 = arith.constant 8 : i32
      %mul3A_15 = arith.muli %scan3A_13, %mul3A_14 : i32
      %add3A_16 = arith.constant 0 : i32
      %add3A_17 = arith.addi %add3A_16, %mul3A_15 : i32
      %add3A_18 = arith.constant 0 : i32
      %add3A_19 = arith.addi %add3A_17, %add3A_18 : i32
      "tpu.region"() ({
        %run_scoped3A = tpu.sem_alloc : memref<!tpu.dma_semaphore, #tpu.memory_space<semaphore_mem>>
        %dma_start3A = arith.constant 0 : i32
        %dma_start3A_34 = tpu.memref_slice %arg6[%add3A_19, %dma_start3A] : memref<80x128xi32, #tpu.memory_space<vmem>> -> memref<1x128xi32, #tpu.memory_space<vmem>>
        %dma_start3A_35 = tpu.memref_squeeze %dma_start3A_34 : memref<1x128xi32, #tpu.memory_space<vmem>> -> memref<128xi32, #tpu.memory_space<vmem>>
        %dma_start3A_36 = arith.constant 0 : i32
        %dma_start3A_37 = arith.constant 0 : i32
        %dma_start3A_38 = tpu.memref_slice %arg8[%dma_start3A_36, %dma_start3A_37] : memref<10240x128xf32, #tpu.memory_space<vmem_shared>> -> memref<10240x128xf32, #tpu.memory_space<vmem_shared>>
        tpu.enqueue_indirect_dma source(%arg7 : memref<128x128xf32, #tpu.memory_space<vmem>>) target(%dma_start3A_38 : memref<10240x128xf32, #tpu.memory_space<vmem_shared>>) offsets(%dma_start3A_35 : memref<128xi32, #tpu.memory_space<vmem>>) semaphore(%run_scoped3A : memref<!tpu.dma_semaphore, #tpu.memory_space<semaphore_mem>>) {add = true}
        %dma_wait3A = arith.constant 0 : i32
        %dma_wait3A_39 = tpu.memref_slice %arg6[%add3A_19, %dma_wait3A] : memref<80x128xi32, #tpu.memory_space<vmem>> -> memref<1x128xi32, #tpu.memory_space<vmem>>
        %dma_wait3A_40 = tpu.memref_squeeze %dma_wait3A_39 : memref<1x128xi32, #tpu.memory_space<vmem>> -> memref<128xi32, #tpu.memory_space<vmem>>
        %dma_wait3A_41 = arith.constant 0 : i32
        %dma_wait3A_42 = arith.constant 0 : i32
        %dma_wait3A_43 = tpu.memref_slice %arg8[%dma_wait3A_41, %dma_wait3A_42] : memref<10240x128xf32, #tpu.memory_space<vmem_shared>> -> memref<10240x128xf32, #tpu.memory_space<vmem_shared>>
        tpu.wait_indirect_dma semaphore(%run_scoped3A : memref<!tpu.dma_semaphore, #tpu.memory_space<semaphore_mem>>) src(%arg7 : memref<128x128xf32, #tpu.memory_space<vmem>>) dst(%dma_wait3A_43 : memref<10240x128xf32, #tpu.memory_space<vmem_shared>>)
        tpu.yield
      }) : () -> ()
      %add3A_20 = arith.constant 1 : i32
      %add3A_21 = arith.addi %add3A_17, %add3A_20 : i32
      "tpu.region"() ({
        %run_scoped3A = tpu.sem_alloc : memref<!tpu.dma_semaphore, #tpu.memory_space<semaphore_mem>>
        %dma_start3A = arith.constant 0 : i32
        %dma_start3A_34 = tpu.memref_slice %arg6[%add3A_21, %dma_start3A] : memref<80x128xi32, #tpu.memory_space<vmem>> -> memref<1x128xi32, #tpu.memory_space<vmem>>
        %dma_start3A_35 = tpu.memref_squeeze %dma_start3A_34 : memref<1x128xi32, #tpu.memory_space<vmem>> -> memref<128xi32, #tpu.memory_space<vmem>>
        %dma_start3A_36 = arith.constant 0 : i32
        %dma_start3A_37 = arith.constant 0 : i32
        %dma_start3A_38 = tpu.memref_slice %arg8[%dma_start3A_36, %dma_start3A_37] : memref<10240x128xf32, #tpu.memory_space<vmem_shared>> -> memref<10240x128xf32, #tpu.memory_space<vmem_shared>>
        tpu.enqueue_indirect_dma source(%arg7 : memref<128x128xf32, #tpu.memory_space<vmem>>) target(%dma_start3A_38 : memref<10240x128xf32, #tpu.memory_space<vmem_shared>>) offsets(%dma_start3A_35 : memref<128xi32, #tpu.memory_space<vmem>>) semaphore(%run_scoped3A : memref<!tpu.dma_semaphore, #tpu.memory_space<semaphore_mem>>) {add = true}
        %dma_wait3A = arith.constant 0 : i32
        %dma_wait3A_39 = tpu.memref_slice %arg6[%add3A_21, %dma_wait3A] : memref<80x128xi32, #tpu.memory_space<vmem>> -> memref<1x128xi32, #tpu.memory_space<vmem>>
        %dma_wait3A_40 = tpu.memref_squeeze %dma_wait3A_39 : memref<1x128xi32, #tpu.memory_space<vmem>> -> memref<128xi32, #tpu.memory_space<vmem>>
        %dma_wait3A_41 = arith.constant 0 : i32
        %dma_wait3A_42 = arith.constant 0 : i32
        %dma_wait3A_43 = tpu.memref_slice %arg8[%dma_wait3A_41, %dma_wait3A_42] : memref<10240x128xf32, #tpu.memory_space<vmem_shared>> -> memref<10240x128xf32, #tpu.memory_space<vmem_shared>>
        tpu.wait_indirect_dma semaphore(%run_scoped3A : memref<!tpu.dma_semaphore, #tpu.memory_space<semaphore_mem>>) src(%arg7 : memref<128x128xf32, #tpu.memory_space<vmem>>) dst(%dma_wait3A_43 : memref<10240x128xf32, #tpu.memory_space<vmem_shared>>)
        tpu.yield
      }) : () -> ()
      %add3A_22 = arith.constant 2 : i32
      %add3A_23 = arith.addi %add3A_17, %add3A_22 : i32
      "tpu.region"() ({
        %run_scoped3A = tpu.sem_alloc : memref<!tpu.dma_semaphore, #tpu.memory_space<semaphore_mem>>
        %dma_start3A = arith.constant 0 : i32
        %dma_start3A_34 = tpu.memref_slice %arg6[%add3A_23, %dma_start3A] : memref<80x128xi32, #tpu.memory_space<vmem>> -> memref<1x128xi32, #tpu.memory_space<vmem>>
        %dma_start3A_35 = tpu.memref_squeeze %dma_start3A_34 : memref<1x128xi32, #tpu.memory_space<vmem>> -> memref<128xi32, #tpu.memory_space<vmem>>
        %dma_start3A_36 = arith.constant 0 : i32
        %dma_start3A_37 = arith.constant 0 : i32
        %dma_start3A_38 = tpu.memref_slice %arg8[%dma_start3A_36, %dma_start3A_37] : memref<10240x128xf32, #tpu.memory_space<vmem_shared>> -> memref<10240x128xf32, #tpu.memory_space<vmem_shared>>
        tpu.enqueue_indirect_dma source(%arg7 : memref<128x128xf32, #tpu.memory_space<vmem>>) target(%dma_start3A_38 : memref<10240x128xf32, #tpu.memory_space<vmem_shared>>) offsets(%dma_start3A_35 : memref<128xi32, #tpu.memory_space<vmem>>) semaphore(%run_scoped3A : memref<!tpu.dma_semaphore, #tpu.memory_space<semaphore_mem>>) {add = true}
        %dma_wait3A = arith.constant 0 : i32
        %dma_wait3A_39 = tpu.memref_slice %arg6[%add3A_23, %dma_wait3A] : memref<80x128xi32, #tpu.memory_space<vmem>> -> memref<1x128xi32, #tpu.memory_space<vmem>>
        %dma_wait3A_40 = tpu.memref_squeeze %dma_wait3A_39 : memref<1x128xi32, #tpu.memory_space<vmem>> -> memref<128xi32, #tpu.memory_space<vmem>>
        %dma_wait3A_41 = arith.constant 0 : i32
        %dma_wait3A_42 = arith.constant 0 : i32
        %dma_wait3A_43 = tpu.memref_slice %arg8[%dma_wait3A_41, %dma_wait3A_42] : memref<10240x128xf32, #tpu.memory_space<vmem_shared>> -> memref<10240x128xf32, #tpu.memory_space<vmem_shared>>
        tpu.wait_indirect_dma semaphore(%run_scoped3A : memref<!tpu.dma_semaphore, #tpu.memory_space<semaphore_mem>>) src(%arg7 : memref<128x128xf32, #tpu.memory_space<vmem>>) dst(%dma_wait3A_43 : memref<10240x128xf32, #tpu.memory_space<vmem_shared>>)
        tpu.yield
      }) : () -> ()
      %add3A_24 = arith.constant 3 : i32
      %add3A_25 = arith.addi %add3A_17, %add3A_24 : i32
      "tpu.region"() ({
        %run_scoped3A = tpu.sem_alloc : memref<!tpu.dma_semaphore, #tpu.memory_space<semaphore_mem>>
        %dma_start3A = arith.constant 0 : i32
        %dma_start3A_34 = tpu.memref_slice %arg6[%add3A_25, %dma_start3A] : memref<80x128xi32, #tpu.memory_space<vmem>> -> memref<1x128xi32, #tpu.memory_space<vmem>>
        %dma_start3A_35 = tpu.memref_squeeze %dma_start3A_34 : memref<1x128xi32, #tpu.memory_space<vmem>> -> memref<128xi32, #tpu.memory_space<vmem>>
        %dma_start3A_36 = arith.constant 0 : i32
        %dma_start3A_37 = arith.constant 0 : i32
        %dma_start3A_38 = tpu.memref_slice %arg8[%dma_start3A_36, %dma_start3A_37] : memref<10240x128xf32, #tpu.memory_space<vmem_shared>> -> memref<10240x128xf32, #tpu.memory_space<vmem_shared>>
        tpu.enqueue_indirect_dma source(%arg7 : memref<128x128xf32, #tpu.memory_space<vmem>>) target(%dma_start3A_38 : memref<10240x128xf32, #tpu.memory_space<vmem_shared>>) offsets(%dma_start3A_35 : memref<128xi32, #tpu.memory_space<vmem>>) semaphore(%run_scoped3A : memref<!tpu.dma_semaphore, #tpu.memory_space<semaphore_mem>>) {add = true}
        %dma_wait3A = arith.constant 0 : i32
        %dma_wait3A_39 = tpu.memref_slice %arg6[%add3A_25, %dma_wait3A] : memref<80x128xi32, #tpu.memory_space<vmem>> -> memref<1x128xi32, #tpu.memory_space<vmem>>
        %dma_wait3A_40 = tpu.memref_squeeze %dma_wait3A_39 : memref<1x128xi32, #tpu.memory_space<vmem>> -> memref<128xi32, #tpu.memory_space<vmem>>
        %dma_wait3A_41 = arith.constant 0 : i32
        %dma_wait3A_42 = arith.constant 0 : i32
        %dma_wait3A_43 = tpu.memref_slice %arg8[%dma_wait3A_41, %dma_wait3A_42] : memref<10240x128xf32, #tpu.memory_space<vmem_shared>> -> memref<10240x128xf32, #tpu.memory_space<vmem_shared>>
        tpu.wait_indirect_dma semaphore(%run_scoped3A : memref<!tpu.dma_semaphore, #tpu.memory_space<semaphore_mem>>) src(%arg7 : memref<128x128xf32, #tpu.memory_space<vmem>>) dst(%dma_wait3A_43 : memref<10240x128xf32, #tpu.memory_space<vmem_shared>>)
        tpu.yield
      }) : () -> ()
      %add3A_26 = arith.constant 4 : i32
      %add3A_27 = arith.addi %add3A_17, %add3A_26 : i32
      "tpu.region"() ({
        %run_scoped3A = tpu.sem_alloc : memref<!tpu.dma_semaphore, #tpu.memory_space<semaphore_mem>>
        %dma_start3A = arith.constant 0 : i32
        %dma_start3A_34 = tpu.memref_slice %arg6[%add3A_27, %dma_start3A] : memref<80x128xi32, #tpu.memory_space<vmem>> -> memref<1x128xi32, #tpu.memory_space<vmem>>
        %dma_start3A_35 = tpu.memref_squeeze %dma_start3A_34 : memref<1x128xi32, #tpu.memory_space<vmem>> -> memref<128xi32, #tpu.memory_space<vmem>>
        %dma_start3A_36 = arith.constant 0 : i32
        %dma_start3A_37 = arith.constant 0 : i32
        %dma_start3A_38 = tpu.memref_slice %arg8[%dma_start3A_36, %dma_start3A_37] : memref<10240x128xf32, #tpu.memory_space<vmem_shared>> -> memref<10240x128xf32, #tpu.memory_space<vmem_shared>>
        tpu.enqueue_indirect_dma source(%arg7 : memref<128x128xf32, #tpu.memory_space<vmem>>) target(%dma_start3A_38 : memref<10240x128xf32, #tpu.memory_space<vmem_shared>>) offsets(%dma_start3A_35 : memref<128xi32, #tpu.memory_space<vmem>>) semaphore(%run_scoped3A : memref<!tpu.dma_semaphore, #tpu.memory_space<semaphore_mem>>) {add = true}
        %dma_wait3A = arith.constant 0 : i32
        %dma_wait3A_39 = tpu.memref_slice %arg6[%add3A_27, %dma_wait3A] : memref<80x128xi32, #tpu.memory_space<vmem>> -> memref<1x128xi32, #tpu.memory_space<vmem>>
        %dma_wait3A_40 = tpu.memref_squeeze %dma_wait3A_39 : memref<1x128xi32, #tpu.memory_space<vmem>> -> memref<128xi32, #tpu.memory_space<vmem>>
        %dma_wait3A_41 = arith.constant 0 : i32
        %dma_wait3A_42 = arith.constant 0 : i32
        %dma_wait3A_43 = tpu.memref_slice %arg8[%dma_wait3A_41, %dma_wait3A_42] : memref<10240x128xf32, #tpu.memory_space<vmem_shared>> -> memref<10240x128xf32, #tpu.memory_space<vmem_shared>>
        tpu.wait_indirect_dma semaphore(%run_scoped3A : memref<!tpu.dma_semaphore, #tpu.memory_space<semaphore_mem>>) src(%arg7 : memref<128x128xf32, #tpu.memory_space<vmem>>) dst(%dma_wait3A_43 : memref<10240x128xf32, #tpu.memory_space<vmem_shared>>)
        tpu.yield
      }) : () -> ()
      %add3A_28 = arith.constant 5 : i32
      %add3A_29 = arith.addi %add3A_17, %add3A_28 : i32
      "tpu.region"() ({
        %run_scoped3A = tpu.sem_alloc : memref<!tpu.dma_semaphore, #tpu.memory_space<semaphore_mem>>
        %dma_start3A = arith.constant 0 : i32
        %dma_start3A_34 = tpu.memref_slice %arg6[%add3A_29, %dma_start3A] : memref<80x128xi32, #tpu.memory_space<vmem>> -> memref<1x128xi32, #tpu.memory_space<vmem>>
        %dma_start3A_35 = tpu.memref_squeeze %dma_start3A_34 : memref<1x128xi32, #tpu.memory_space<vmem>> -> memref<128xi32, #tpu.memory_space<vmem>>
        %dma_start3A_36 = arith.constant 0 : i32
        %dma_start3A_37 = arith.constant 0 : i32
        %dma_start3A_38 = tpu.memref_slice %arg8[%dma_start3A_36, %dma_start3A_37] : memref<10240x128xf32, #tpu.memory_space<vmem_shared>> -> memref<10240x128xf32, #tpu.memory_space<vmem_shared>>
        tpu.enqueue_indirect_dma source(%arg7 : memref<128x128xf32, #tpu.memory_space<vmem>>) target(%dma_start3A_38 : memref<10240x128xf32, #tpu.memory_space<vmem_shared>>) offsets(%dma_start3A_35 : memref<128xi32, #tpu.memory_space<vmem>>) semaphore(%run_scoped3A : memref<!tpu.dma_semaphore, #tpu.memory_space<semaphore_mem>>) {add = true}
        %dma_wait3A = arith.constant 0 : i32
        %dma_wait3A_39 = tpu.memref_slice %arg6[%add3A_29, %dma_wait3A] : memref<80x128xi32, #tpu.memory_space<vmem>> -> memref<1x128xi32, #tpu.memory_space<vmem>>
        %dma_wait3A_40 = tpu.memref_squeeze %dma_wait3A_39 : memref<1x128xi32, #tpu.memory_space<vmem>> -> memref<128xi32, #tpu.memory_space<vmem>>
        %dma_wait3A_41 = arith.constant 0 : i32
        %dma_wait3A_42 = arith.constant 0 : i32
        %dma_wait3A_43 = tpu.memref_slice %arg8[%dma_wait3A_41, %dma_wait3A_42] : memref<10240x128xf32, #tpu.memory_space<vmem_shared>> -> memref<10240x128xf32, #tpu.memory_space<vmem_shared>>
        tpu.wait_indirect_dma semaphore(%run_scoped3A : memref<!tpu.dma_semaphore, #tpu.memory_space<semaphore_mem>>) src(%arg7 : memref<128x128xf32, #tpu.memory_space<vmem>>) dst(%dma_wait3A_43 : memref<10240x128xf32, #tpu.memory_space<vmem_shared>>)
        tpu.yield
      }) : () -> ()
      %add3A_30 = arith.constant 6 : i32
      %add3A_31 = arith.addi %add3A_17, %add3A_30 : i32
      "tpu.region"() ({
        %run_scoped3A = tpu.sem_alloc : memref<!tpu.dma_semaphore, #tpu.memory_space<semaphore_mem>>
        %dma_start3A = arith.constant 0 : i32
        %dma_start3A_34 = tpu.memref_slice %arg6[%add3A_31, %dma_start3A] : memref<80x128xi32, #tpu.memory_space<vmem>> -> memref<1x128xi32, #tpu.memory_space<vmem>>
        %dma_start3A_35 = tpu.memref_squeeze %dma_start3A_34 : memref<1x128xi32, #tpu.memory_space<vmem>> -> memref<128xi32, #tpu.memory_space<vmem>>
        %dma_start3A_36 = arith.constant 0 : i32
        %dma_start3A_37 = arith.constant 0 : i32
        %dma_start3A_38 = tpu.memref_slice %arg8[%dma_start3A_36, %dma_start3A_37] : memref<10240x128xf32, #tpu.memory_space<vmem_shared>> -> memref<10240x128xf32, #tpu.memory_space<vmem_shared>>
        tpu.enqueue_indirect_dma source(%arg7 : memref<128x128xf32, #tpu.memory_space<vmem>>) target(%dma_start3A_38 : memref<10240x128xf32, #tpu.memory_space<vmem_shared>>) offsets(%dma_start3A_35 : memref<128xi32, #tpu.memory_space<vmem>>) semaphore(%run_scoped3A : memref<!tpu.dma_semaphore, #tpu.memory_space<semaphore_mem>>) {add = true}
        %dma_wait3A = arith.constant 0 : i32
        %dma_wait3A_39 = tpu.memref_slice %arg6[%add3A_31, %dma_wait3A] : memref<80x128xi32, #tpu.memory_space<vmem>> -> memref<1x128xi32, #tpu.memory_space<vmem>>
        %dma_wait3A_40 = tpu.memref_squeeze %dma_wait3A_39 : memref<1x128xi32, #tpu.memory_space<vmem>> -> memref<128xi32, #tpu.memory_space<vmem>>
        %dma_wait3A_41 = arith.constant 0 : i32
        %dma_wait3A_42 = arith.constant 0 : i32
        %dma_wait3A_43 = tpu.memref_slice %arg8[%dma_wait3A_41, %dma_wait3A_42] : memref<10240x128xf32, #tpu.memory_space<vmem_shared>> -> memref<10240x128xf32, #tpu.memory_space<vmem_shared>>
        tpu.wait_indirect_dma semaphore(%run_scoped3A : memref<!tpu.dma_semaphore, #tpu.memory_space<semaphore_mem>>) src(%arg7 : memref<128x128xf32, #tpu.memory_space<vmem>>) dst(%dma_wait3A_43 : memref<10240x128xf32, #tpu.memory_space<vmem_shared>>)
        tpu.yield
      }) : () -> ()
      %add3A_32 = arith.constant 7 : i32
      %add3A_33 = arith.addi %add3A_17, %add3A_32 : i32
      "tpu.region"() ({
        %run_scoped3A = tpu.sem_alloc : memref<!tpu.dma_semaphore, #tpu.memory_space<semaphore_mem>>
        %dma_start3A = arith.constant 0 : i32
        %dma_start3A_34 = tpu.memref_slice %arg6[%add3A_33, %dma_start3A] : memref<80x128xi32, #tpu.memory_space<vmem>> -> memref<1x128xi32, #tpu.memory_space<vmem>>
        %dma_start3A_35 = tpu.memref_squeeze %dma_start3A_34 : memref<1x128xi32, #tpu.memory_space<vmem>> -> memref<128xi32, #tpu.memory_space<vmem>>
        %dma_start3A_36 = arith.constant 0 : i32
        %dma_start3A_37 = arith.constant 0 : i32
        %dma_start3A_38 = tpu.memref_slice %arg8[%dma_start3A_36, %dma_start3A_37] : memref<10240x128xf32, #tpu.memory_space<vmem_shared>> -> memref<10240x128xf32, #tpu.memory_space<vmem_shared>>
        tpu.enqueue_indirect_dma source(%arg7 : memref<128x128xf32, #tpu.memory_space<vmem>>) target(%dma_start3A_38 : memref<10240x128xf32, #tpu.memory_space<vmem_shared>>) offsets(%dma_start3A_35 : memref<128xi32, #tpu.memory_space<vmem>>) semaphore(%run_scoped3A : memref<!tpu.dma_semaphore, #tpu.memory_space<semaphore_mem>>) {add = true}
        %dma_wait3A = arith.constant 0 : i32
        %dma_wait3A_39 = tpu.memref_slice %arg6[%add3A_33, %dma_wait3A] : memref<80x128xi32, #tpu.memory_space<vmem>> -> memref<1x128xi32, #tpu.memory_space<vmem>>
        %dma_wait3A_40 = tpu.memref_squeeze %dma_wait3A_39 : memref<1x128xi32, #tpu.memory_space<vmem>> -> memref<128xi32, #tpu.memory_space<vmem>>
        %dma_wait3A_41 = arith.constant 0 : i32
        %dma_wait3A_42 = arith.constant 0 : i32
        %dma_wait3A_43 = tpu.memref_slice %arg8[%dma_wait3A_41, %dma_wait3A_42] : memref<10240x128xf32, #tpu.memory_space<vmem_shared>> -> memref<10240x128xf32, #tpu.memory_space<vmem_shared>>
        tpu.wait_indirect_dma semaphore(%run_scoped3A : memref<!tpu.dma_semaphore, #tpu.memory_space<semaphore_mem>>) src(%arg7 : memref<128x128xf32, #tpu.memory_space<vmem>>) dst(%dma_wait3A_43 : memref<10240x128xf32, #tpu.memory_space<vmem_shared>>)
        tpu.yield
      }) : () -> ()
    }
    %scan3A_8 = arith.constant 10 : i32
    %barrier3A_9 = arith.constant 0 : index
    tpu.barrier barrier_id(%barrier3A_9)
    %mul3A_10 = arith.constant 10240 : i32
    %mul3A_11 = arith.muli %arg0, %mul3A_10 : i32
    %add3A_12 = arith.addi %mul3A_11, %mul3A_2 : i32
    "tpu.region"() ({
      %run_scoped3A = tpu.sem_alloc : memref<!tpu.dma_semaphore, #tpu.memory_space<semaphore_mem>>
      %dma_start3A = arith.constant 0 : i32
      %dma_start3A_13 = tpu.memref_slice %arg5[%add3A_12, %dma_start3A] : memref<20480x128xf32, #tpu.memory_space<hbm>> -> memref<640x128xf32, #tpu.memory_space<hbm>>
      %dma_start3A_14 = arith.constant 0 : i32
      %dma_start3A_15 = tpu.memref_slice %arg8[%mul3A_2, %dma_start3A_14] : memref<10240x128xf32, #tpu.memory_space<vmem_shared>> -> memref<640x128xf32, #tpu.memory_space<vmem_shared>>
      tpu.enqueue_dma source(%dma_start3A_15 : memref<640x128xf32, #tpu.memory_space<vmem_shared>>) target(%dma_start3A_13 : memref<640x128xf32, #tpu.memory_space<hbm>>) target_semaphore(%run_scoped3A : memref<!tpu.dma_semaphore, #tpu.memory_space<semaphore_mem>>)
      %dma_wait3A = arith.constant 0 : i32
      %dma_wait3A_16 = tpu.memref_slice %arg5[%add3A_12, %dma_wait3A] : memref<20480x128xf32, #tpu.memory_space<hbm>> -> memref<640x128xf32, #tpu.memory_space<hbm>>
      %dma_wait3A_17 = arith.constant 0 : i32
      %dma_wait3A_18 = tpu.memref_slice %arg8[%mul3A_2, %dma_wait3A_17] : memref<10240x128xf32, #tpu.memory_space<vmem_shared>> -> memref<640x128xf32, #tpu.memory_space<vmem_shared>>
      tpu.wait_dma2 semaphore(%run_scoped3A : memref<!tpu.dma_semaphore, #tpu.memory_space<semaphore_mem>>) src(%dma_wait3A_18 : memref<640x128xf32, #tpu.memory_space<vmem_shared>>) dst(%dma_wait3A_16 : memref<640x128xf32, #tpu.memory_space<hbm>>)
      tpu.yield
    }) : () -> ()
    return
  }
}

#map = affine_map<(d0, d1) -> (0, 0)>
#map1 = affine_map<(d0, d1) -> (0)>
module attributes {stable_mosaic.version = 14 : i64} {
  func.func @prop_kernel(%arg0: i32, %arg1: i32, %arg2: memref<10240x128xf32, #tpu.memory_space<hbm>>, %arg3: memref<327680xi32, #tpu.memory_space<hbm>>, %arg4: memref<327680xi32, #tpu.memory_space<hbm>>, %arg5: memref<10240x128xf32, #tpu.memory_space<hbm>>, %arg6: memref<20480x128xf32, #tpu.memory_space<hbm>>, %arg7: memref<128xi32, #tpu.memory_space<vmem>>, %arg8: memref<128xi32, #tpu.memory_space<vmem>>, %arg9: memref<128x128xf32, #tpu.memory_space<vmem>>, %arg10: memref<10240x128xf32, #tpu.memory_space<vmem_shared>>) attributes {dimension_semantics = [#tpu.dimension_semantics<core_parallel>, #tpu.dimension_semantics<subcore_parallel>], iteration_bounds = array<i64: 2, 16>, scalar_prefetch = 0 : i64, scratch_operands = 4 : i64, tpu.core_type = #tpu.core_type<sc_vector_subcore>, window_params = [{transform_indices = #map}, {transform_indices = #map1}, {transform_indices = #map1}, {transform_indices = #map}, {transform_indices = #map}]} {
    %mul3A = arith.constant 16 : i32
    %mul3A_0 = arith.muli %arg0, %mul3A : i32
    %add3A = arith.addi %mul3A_0, %arg1 : i32
    %mul3A_1 = arith.constant 640 : i32
    %mul3A_2 = arith.muli %arg1, %mul3A_1 : i32
    "tpu.region"() ({
      %run_scoped3A = tpu.sem_alloc : memref<!tpu.dma_semaphore, #tpu.memory_space<semaphore_mem>>
      %dma_start3A = arith.constant 0 : i32
      %dma_start3A_13 = tpu.memref_slice %arg10[%mul3A_2, %dma_start3A] : memref<10240x128xf32, #tpu.memory_space<vmem_shared>> -> memref<640x128xf32, #tpu.memory_space<vmem_shared>>
      %dma_start3A_14 = arith.constant 0 : i32
      %dma_start3A_15 = tpu.memref_slice %arg5[%mul3A_2, %dma_start3A_14] : memref<10240x128xf32, #tpu.memory_space<hbm>> -> memref<640x128xf32, #tpu.memory_space<hbm>>
      tpu.enqueue_dma source(%dma_start3A_15 : memref<640x128xf32, #tpu.memory_space<hbm>>) target(%dma_start3A_13 : memref<640x128xf32, #tpu.memory_space<vmem_shared>>) target_semaphore(%run_scoped3A : memref<!tpu.dma_semaphore, #tpu.memory_space<semaphore_mem>>)
      %dma_wait3A = arith.constant 0 : i32
      %dma_wait3A_16 = tpu.memref_slice %arg10[%mul3A_2, %dma_wait3A] : memref<10240x128xf32, #tpu.memory_space<vmem_shared>> -> memref<640x128xf32, #tpu.memory_space<vmem_shared>>
      %dma_wait3A_17 = arith.constant 0 : i32
      %dma_wait3A_18 = tpu.memref_slice %arg5[%mul3A_2, %dma_wait3A_17] : memref<10240x128xf32, #tpu.memory_space<hbm>> -> memref<640x128xf32, #tpu.memory_space<hbm>>
      tpu.wait_dma2 semaphore(%run_scoped3A : memref<!tpu.dma_semaphore, #tpu.memory_space<semaphore_mem>>) src(%dma_wait3A_18 : memref<640x128xf32, #tpu.memory_space<hbm>>) dst(%dma_wait3A_16 : memref<640x128xf32, #tpu.memory_space<vmem_shared>>)
      tpu.yield
    }) : () -> ()
    %barrier3A = arith.constant 0 : index
    tpu.barrier barrier_id(%barrier3A)
    %mul3A_3 = arith.constant 10240 : i32
    %mul3A_4 = arith.muli %add3A, %mul3A_3 : i32
    %scan3A = arith.constant 0 : i32
    %scan3A_5 = arith.constant 80 : i32
    %scan3A_6 = arith.addi %scan3A, %scan3A_5 : i32
    %scan3A_7 = arith.constant 1 : i32
    scf.for %scan3A_13 = %scan3A to %scan3A_6 step %scan3A_7  : i32 {
      %mul3A_14 = arith.constant 1 : i32
      %mul3A_15 = arith.muli %scan3A_13, %mul3A_14 : i32
      %add3A_16 = arith.constant 0 : i32
      %add3A_17 = arith.addi %add3A_16, %mul3A_15 : i32
      %mul3A_18 = arith.constant 128 : i32
      %mul3A_19 = arith.muli %add3A_17, %mul3A_18 : i32
      %add3A_20 = arith.addi %mul3A_4, %mul3A_19 : i32
      "tpu.region"() ({
        %run_scoped3A = tpu.sem_alloc : memref<!tpu.dma_semaphore, #tpu.memory_space<semaphore_mem>>
        %dma_start3A = tpu.memref_slice %arg3[%add3A_20] : memref<327680xi32, #tpu.memory_space<hbm>> -> memref<128xi32, #tpu.memory_space<hbm>>
        %dma_start3A_21 = tpu.memref_slice %arg3[%add3A_20] : memref<327680xi32, #tpu.memory_space<hbm>> -> memref<128xi32, #tpu.memory_space<hbm>>
        tpu.enqueue_dma source(%dma_start3A_21 : memref<128xi32, #tpu.memory_space<hbm>>) target(%arg7 : memref<128xi32, #tpu.memory_space<vmem>>) target_semaphore(%run_scoped3A : memref<!tpu.dma_semaphore, #tpu.memory_space<semaphore_mem>>)
        %dma_wait3A = tpu.memref_slice %arg3[%add3A_20] : memref<327680xi32, #tpu.memory_space<hbm>> -> memref<128xi32, #tpu.memory_space<hbm>>
        %dma_wait3A_22 = tpu.memref_slice %arg3[%add3A_20] : memref<327680xi32, #tpu.memory_space<hbm>> -> memref<128xi32, #tpu.memory_space<hbm>>
        tpu.wait_dma2 semaphore(%run_scoped3A : memref<!tpu.dma_semaphore, #tpu.memory_space<semaphore_mem>>) src(%dma_wait3A_22 : memref<128xi32, #tpu.memory_space<hbm>>) dst(%arg7 : memref<128xi32, #tpu.memory_space<vmem>>)
        tpu.yield
      }) : () -> ()
      "tpu.region"() ({
        %run_scoped3A = tpu.sem_alloc : memref<!tpu.dma_semaphore, #tpu.memory_space<semaphore_mem>>
        %dma_start3A = tpu.memref_slice %arg4[%add3A_20] : memref<327680xi32, #tpu.memory_space<hbm>> -> memref<128xi32, #tpu.memory_space<hbm>>
        %dma_start3A_21 = tpu.memref_slice %arg4[%add3A_20] : memref<327680xi32, #tpu.memory_space<hbm>> -> memref<128xi32, #tpu.memory_space<hbm>>
        tpu.enqueue_dma source(%dma_start3A_21 : memref<128xi32, #tpu.memory_space<hbm>>) target(%arg8 : memref<128xi32, #tpu.memory_space<vmem>>) target_semaphore(%run_scoped3A : memref<!tpu.dma_semaphore, #tpu.memory_space<semaphore_mem>>)
        %dma_wait3A = tpu.memref_slice %arg4[%add3A_20] : memref<327680xi32, #tpu.memory_space<hbm>> -> memref<128xi32, #tpu.memory_space<hbm>>
        %dma_wait3A_22 = tpu.memref_slice %arg4[%add3A_20] : memref<327680xi32, #tpu.memory_space<hbm>> -> memref<128xi32, #tpu.memory_space<hbm>>
        tpu.wait_dma2 semaphore(%run_scoped3A : memref<!tpu.dma_semaphore, #tpu.memory_space<semaphore_mem>>) src(%dma_wait3A_22 : memref<128xi32, #tpu.memory_space<hbm>>) dst(%arg8 : memref<128xi32, #tpu.memory_space<vmem>>)
        tpu.yield
      }) : () -> ()
      "tpu.region"() ({
        %run_scoped3A = tpu.sem_alloc : memref<!tpu.dma_semaphore, #tpu.memory_space<semaphore_mem>>
        %dma_start3A = arith.constant 0 : i32
        %dma_start3A_21 = arith.constant 0 : i32
        %dma_start3A_22 = tpu.memref_slice %arg2[%dma_start3A, %dma_start3A_21] : memref<10240x128xf32, #tpu.memory_space<hbm>> -> memref<10240x128xf32, #tpu.memory_space<hbm>>
        tpu.enqueue_indirect_dma source(%dma_start3A_22 : memref<10240x128xf32, #tpu.memory_space<hbm>>) target(%arg9 : memref<128x128xf32, #tpu.memory_space<vmem>>) offsets(%arg7 : memref<128xi32, #tpu.memory_space<vmem>>) semaphore(%run_scoped3A : memref<!tpu.dma_semaphore, #tpu.memory_space<semaphore_mem>>)
        %dma_wait3A = arith.constant 0 : i32
        %dma_wait3A_23 = arith.constant 0 : i32
        %dma_wait3A_24 = tpu.memref_slice %arg2[%dma_wait3A, %dma_wait3A_23] : memref<10240x128xf32, #tpu.memory_space<hbm>> -> memref<10240x128xf32, #tpu.memory_space<hbm>>
        tpu.wait_indirect_dma semaphore(%run_scoped3A : memref<!tpu.dma_semaphore, #tpu.memory_space<semaphore_mem>>) src(%dma_wait3A_24 : memref<10240x128xf32, #tpu.memory_space<hbm>>) dst(%arg9 : memref<128x128xf32, #tpu.memory_space<vmem>>)
        tpu.yield
      }) : () -> ()
      "tpu.region"() ({
        %run_scoped3A = tpu.sem_alloc : memref<!tpu.dma_semaphore, #tpu.memory_space<semaphore_mem>>
        %dma_start3A = arith.constant 0 : i32
        %dma_start3A_21 = arith.constant 0 : i32
        %dma_start3A_22 = tpu.memref_slice %arg10[%dma_start3A, %dma_start3A_21] : memref<10240x128xf32, #tpu.memory_space<vmem_shared>> -> memref<10240x128xf32, #tpu.memory_space<vmem_shared>>
        tpu.enqueue_indirect_dma source(%arg9 : memref<128x128xf32, #tpu.memory_space<vmem>>) target(%dma_start3A_22 : memref<10240x128xf32, #tpu.memory_space<vmem_shared>>) offsets(%arg8 : memref<128xi32, #tpu.memory_space<vmem>>) semaphore(%run_scoped3A : memref<!tpu.dma_semaphore, #tpu.memory_space<semaphore_mem>>) {add = true}
        %dma_wait3A = arith.constant 0 : i32
        %dma_wait3A_23 = arith.constant 0 : i32
        %dma_wait3A_24 = tpu.memref_slice %arg10[%dma_wait3A, %dma_wait3A_23] : memref<10240x128xf32, #tpu.memory_space<vmem_shared>> -> memref<10240x128xf32, #tpu.memory_space<vmem_shared>>
        tpu.wait_indirect_dma semaphore(%run_scoped3A : memref<!tpu.dma_semaphore, #tpu.memory_space<semaphore_mem>>) src(%arg9 : memref<128x128xf32, #tpu.memory_space<vmem>>) dst(%dma_wait3A_24 : memref<10240x128xf32, #tpu.memory_space<vmem_shared>>)
        tpu.yield
      }) : () -> ()
    }
    %scan3A_8 = arith.constant 80 : i32
    %barrier3A_9 = arith.constant 0 : index
    tpu.barrier barrier_id(%barrier3A_9)
    %mul3A_10 = arith.constant 10240 : i32
    %mul3A_11 = arith.muli %arg0, %mul3A_10 : i32
    %add3A_12 = arith.addi %mul3A_11, %mul3A_2 : i32
    "tpu.region"() ({
      %run_scoped3A = tpu.sem_alloc : memref<!tpu.dma_semaphore, #tpu.memory_space<semaphore_mem>>
      %dma_start3A = arith.constant 0 : i32
      %dma_start3A_13 = tpu.memref_slice %arg6[%add3A_12, %dma_start3A] : memref<20480x128xf32, #tpu.memory_space<hbm>> -> memref<640x128xf32, #tpu.memory_space<hbm>>
      %dma_start3A_14 = arith.constant 0 : i32
      %dma_start3A_15 = tpu.memref_slice %arg10[%mul3A_2, %dma_start3A_14] : memref<10240x128xf32, #tpu.memory_space<vmem_shared>> -> memref<640x128xf32, #tpu.memory_space<vmem_shared>>
      tpu.enqueue_dma source(%dma_start3A_15 : memref<640x128xf32, #tpu.memory_space<vmem_shared>>) target(%dma_start3A_13 : memref<640x128xf32, #tpu.memory_space<hbm>>) target_semaphore(%run_scoped3A : memref<!tpu.dma_semaphore, #tpu.memory_space<semaphore_mem>>)
      %dma_wait3A = arith.constant 0 : i32
      %dma_wait3A_16 = tpu.memref_slice %arg6[%add3A_12, %dma_wait3A] : memref<20480x128xf32, #tpu.memory_space<hbm>> -> memref<640x128xf32, #tpu.memory_space<hbm>>
      %dma_wait3A_17 = arith.constant 0 : i32
      %dma_wait3A_18 = tpu.memref_slice %arg10[%mul3A_2, %dma_wait3A_17] : memref<10240x128xf32, #tpu.memory_space<vmem_shared>> -> memref<640x128xf32, #tpu.memory_space<vmem_shared>>
      tpu.wait_dma2 semaphore(%run_scoped3A : memref<!tpu.dma_semaphore, #tpu.memory_space<semaphore_mem>>) src(%dma_wait3A_18 : memref<640x128xf32, #tpu.memory_space<vmem_shared>>) dst(%dma_wait3A_16 : memref<640x128xf32, #tpu.memory_space<hbm>>)
      tpu.yield
    }) : () -> ()
    return
  }
}

#map = affine_map<(d0, d1) -> (0, 0)>
#map1 = affine_map<(d0, d1) -> (0)>
module attributes {stable_mosaic.version = 14 : i64} {
  func.func @prop_kernel(%arg0: i32, %arg1: i32, %arg2: memref<10240x128xf32, #tpu.memory_space<hbm>>, %arg3: memref<327680xi32, #tpu.memory_space<hbm>>, %arg4: memref<327680xi32, #tpu.memory_space<hbm>>, %arg5: memref<10240x128xf32, #tpu.memory_space<hbm>>, %arg6: memref<20480x128xf32, #tpu.memory_space<hbm>>, %arg7: memref<128xi32, #tpu.memory_space<vmem>>, %arg8: memref<128xi32, #tpu.memory_space<vmem>>, %arg9: memref<128x128xf32, #tpu.memory_space<vmem>>, %arg10: memref<10240x128xf32, #tpu.memory_space<vmem_shared>>) attributes {dimension_semantics = [#tpu.dimension_semantics<core_parallel>, #tpu.dimension_semantics<subcore_parallel>], iteration_bounds = array<i64: 2, 16>, scalar_prefetch = 0 : i64, scratch_operands = 4 : i64, tpu.core_type = #tpu.core_type<sc_vector_subcore>, window_params = [{transform_indices = #map}, {transform_indices = #map1}, {transform_indices = #map1}, {transform_indices = #map}, {transform_indices = #map}]} {
    %mul3A = arith.constant 16 : i32
    %mul3A_0 = arith.muli %arg0, %mul3A : i32
    %add3A = arith.addi %mul3A_0, %arg1 : i32
    %mul3A_1 = arith.constant 640 : i32
    %mul3A_2 = arith.muli %arg1, %mul3A_1 : i32
    "tpu.region"() ({
      %run_scoped3A = tpu.sem_alloc : memref<!tpu.dma_semaphore, #tpu.memory_space<semaphore_mem>>
      %dma_start3A = arith.constant 0 : i32
      %dma_start3A_13 = tpu.memref_slice %arg10[%mul3A_2, %dma_start3A] : memref<10240x128xf32, #tpu.memory_space<vmem_shared>> -> memref<640x128xf32, #tpu.memory_space<vmem_shared>>
      %dma_start3A_14 = arith.constant 0 : i32
      %dma_start3A_15 = tpu.memref_slice %arg5[%mul3A_2, %dma_start3A_14] : memref<10240x128xf32, #tpu.memory_space<hbm>> -> memref<640x128xf32, #tpu.memory_space<hbm>>
      tpu.enqueue_dma source(%dma_start3A_15 : memref<640x128xf32, #tpu.memory_space<hbm>>) target(%dma_start3A_13 : memref<640x128xf32, #tpu.memory_space<vmem_shared>>) target_semaphore(%run_scoped3A : memref<!tpu.dma_semaphore, #tpu.memory_space<semaphore_mem>>)
      %dma_wait3A = arith.constant 0 : i32
      %dma_wait3A_16 = tpu.memref_slice %arg10[%mul3A_2, %dma_wait3A] : memref<10240x128xf32, #tpu.memory_space<vmem_shared>> -> memref<640x128xf32, #tpu.memory_space<vmem_shared>>
      %dma_wait3A_17 = arith.constant 0 : i32
      %dma_wait3A_18 = tpu.memref_slice %arg5[%mul3A_2, %dma_wait3A_17] : memref<10240x128xf32, #tpu.memory_space<hbm>> -> memref<640x128xf32, #tpu.memory_space<hbm>>
      tpu.wait_dma2 semaphore(%run_scoped3A : memref<!tpu.dma_semaphore, #tpu.memory_space<semaphore_mem>>) src(%dma_wait3A_18 : memref<640x128xf32, #tpu.memory_space<hbm>>) dst(%dma_wait3A_16 : memref<640x128xf32, #tpu.memory_space<vmem_shared>>)
      tpu.yield
    }) : () -> ()
    %barrier3A = arith.constant 0 : index
    tpu.barrier barrier_id(%barrier3A)
    %mul3A_3 = arith.constant 10240 : i32
    %mul3A_4 = arith.muli %add3A, %mul3A_3 : i32
    %scan3A = arith.constant 0 : i32
    %scan3A_5 = arith.constant 80 : i32
    %scan3A_6 = arith.addi %scan3A, %scan3A_5 : i32
    %scan3A_7 = arith.constant 1 : i32
    scf.for %scan3A_13 = %scan3A to %scan3A_6 step %scan3A_7  : i32 {
      %mul3A_14 = arith.constant 1 : i32
      %mul3A_15 = arith.muli %scan3A_13, %mul3A_14 : i32
      %add3A_16 = arith.constant 0 : i32
      %add3A_17 = arith.addi %add3A_16, %mul3A_15 : i32
      %mul3A_18 = arith.constant 128 : i32
      %mul3A_19 = arith.muli %add3A_17, %mul3A_18 : i32
      %add3A_20 = arith.addi %mul3A_4, %mul3A_19 : i32
      "tpu.region"() ({
        %run_scoped3A = tpu.sem_alloc : memref<!tpu.dma_semaphore, #tpu.memory_space<semaphore_mem>>
        %dma_start3A = tpu.memref_slice %arg3[%add3A_20] : memref<327680xi32, #tpu.memory_space<hbm>> -> memref<128xi32, #tpu.memory_space<hbm>>
        %dma_start3A_21 = tpu.memref_slice %arg3[%add3A_20] : memref<327680xi32, #tpu.memory_space<hbm>> -> memref<128xi32, #tpu.memory_space<hbm>>
        tpu.enqueue_dma source(%dma_start3A_21 : memref<128xi32, #tpu.memory_space<hbm>>) target(%arg7 : memref<128xi32, #tpu.memory_space<vmem>>) target_semaphore(%run_scoped3A : memref<!tpu.dma_semaphore, #tpu.memory_space<semaphore_mem>>)
        %dma_wait3A = tpu.memref_slice %arg3[%add3A_20] : memref<327680xi32, #tpu.memory_space<hbm>> -> memref<128xi32, #tpu.memory_space<hbm>>
        %dma_wait3A_22 = tpu.memref_slice %arg3[%add3A_20] : memref<327680xi32, #tpu.memory_space<hbm>> -> memref<128xi32, #tpu.memory_space<hbm>>
        tpu.wait_dma2 semaphore(%run_scoped3A : memref<!tpu.dma_semaphore, #tpu.memory_space<semaphore_mem>>) src(%dma_wait3A_22 : memref<128xi32, #tpu.memory_space<hbm>>) dst(%arg7 : memref<128xi32, #tpu.memory_space<vmem>>)
        tpu.yield
      }) : () -> ()
      "tpu.region"() ({
        %run_scoped3A = tpu.sem_alloc : memref<!tpu.dma_semaphore, #tpu.memory_space<semaphore_mem>>
        %dma_start3A = tpu.memref_slice %arg4[%add3A_20] : memref<327680xi32, #tpu.memory_space<hbm>> -> memref<128xi32, #tpu.memory_space<hbm>>
        %dma_start3A_21 = tpu.memref_slice %arg4[%add3A_20] : memref<327680xi32, #tpu.memory_space<hbm>> -> memref<128xi32, #tpu.memory_space<hbm>>
        tpu.enqueue_dma source(%dma_start3A_21 : memref<128xi32, #tpu.memory_space<hbm>>) target(%arg8 : memref<128xi32, #tpu.memory_space<vmem>>) target_semaphore(%run_scoped3A : memref<!tpu.dma_semaphore, #tpu.memory_space<semaphore_mem>>)
        %dma_wait3A = tpu.memref_slice %arg4[%add3A_20] : memref<327680xi32, #tpu.memory_space<hbm>> -> memref<128xi32, #tpu.memory_space<hbm>>
        %dma_wait3A_22 = tpu.memref_slice %arg4[%add3A_20] : memref<327680xi32, #tpu.memory_space<hbm>> -> memref<128xi32, #tpu.memory_space<hbm>>
        tpu.wait_dma2 semaphore(%run_scoped3A : memref<!tpu.dma_semaphore, #tpu.memory_space<semaphore_mem>>) src(%dma_wait3A_22 : memref<128xi32, #tpu.memory_space<hbm>>) dst(%arg8 : memref<128xi32, #tpu.memory_space<vmem>>)
        tpu.yield
      }) : () -> ()
      "tpu.region"() ({
        %run_scoped3A = tpu.sem_alloc : memref<!tpu.dma_semaphore, #tpu.memory_space<semaphore_mem>>
        %dma_start3A = arith.constant 0 : i32
        %dma_start3A_21 = arith.constant 0 : i32
        %dma_start3A_22 = tpu.memref_slice %arg2[%dma_start3A, %dma_start3A_21] : memref<10240x128xf32, #tpu.memory_space<hbm>> -> memref<10240x128xf32, #tpu.memory_space<hbm>>
        tpu.enqueue_indirect_dma source(%dma_start3A_22 : memref<10240x128xf32, #tpu.memory_space<hbm>>) target(%arg9 : memref<128x128xf32, #tpu.memory_space<vmem>>) offsets(%arg7 : memref<128xi32, #tpu.memory_space<vmem>>) semaphore(%run_scoped3A : memref<!tpu.dma_semaphore, #tpu.memory_space<semaphore_mem>>)
        %dma_wait3A = arith.constant 0 : i32
        %dma_wait3A_23 = arith.constant 0 : i32
        %dma_wait3A_24 = tpu.memref_slice %arg2[%dma_wait3A, %dma_wait3A_23] : memref<10240x128xf32, #tpu.memory_space<hbm>> -> memref<10240x128xf32, #tpu.memory_space<hbm>>
        tpu.wait_indirect_dma semaphore(%run_scoped3A : memref<!tpu.dma_semaphore, #tpu.memory_space<semaphore_mem>>) src(%dma_wait3A_24 : memref<10240x128xf32, #tpu.memory_space<hbm>>) dst(%arg9 : memref<128x128xf32, #tpu.memory_space<vmem>>)
        tpu.yield
      }) : () -> ()
      "tpu.region"() ({
        %run_scoped3A = tpu.sem_alloc : memref<!tpu.dma_semaphore, #tpu.memory_space<semaphore_mem>>
        %dma_start3A = arith.constant 0 : i32
        %dma_start3A_21 = arith.constant 0 : i32
        %dma_start3A_22 = tpu.memref_slice %arg10[%dma_start3A, %dma_start3A_21] : memref<10240x128xf32, #tpu.memory_space<vmem_shared>> -> memref<10240x128xf32, #tpu.memory_space<vmem_shared>>
        tpu.enqueue_indirect_dma source(%arg9 : memref<128x128xf32, #tpu.memory_space<vmem>>) target(%dma_start3A_22 : memref<10240x128xf32, #tpu.memory_space<vmem_shared>>) offsets(%arg8 : memref<128xi32, #tpu.memory_space<vmem>>) semaphore(%run_scoped3A : memref<!tpu.dma_semaphore, #tpu.memory_space<semaphore_mem>>) {add = true}
        %dma_wait3A = arith.constant 0 : i32
        %dma_wait3A_23 = arith.constant 0 : i32
        %dma_wait3A_24 = tpu.memref_slice %arg10[%dma_wait3A, %dma_wait3A_23] : memref<10240x128xf32, #tpu.memory_space<vmem_shared>> -> memref<10240x128xf32, #tpu.memory_space<vmem_shared>>
        tpu.wait_indirect_dma semaphore(%run_scoped3A : memref<!tpu.dma_semaphore, #tpu.memory_space<semaphore_mem>>) src(%arg9 : memref<128x128xf32, #tpu.memory_space<vmem>>) dst(%dma_wait3A_24 : memref<10240x128xf32, #tpu.memory_space<vmem_shared>>)
        tpu.yield
      }) : () -> ()
    }
    %scan3A_8 = arith.constant 80 : i32
    %barrier3A_9 = arith.constant 0 : index
    tpu.barrier barrier_id(%barrier3A_9)
    %mul3A_10 = arith.constant 10240 : i32
    %mul3A_11 = arith.muli %arg0, %mul3A_10 : i32
    %add3A_12 = arith.addi %mul3A_11, %mul3A_2 : i32
    "tpu.region"() ({
      %run_scoped3A = tpu.sem_alloc : memref<!tpu.dma_semaphore, #tpu.memory_space<semaphore_mem>>
      %dma_start3A = arith.constant 0 : i32
      %dma_start3A_13 = tpu.memref_slice %arg6[%add3A_12, %dma_start3A] : memref<20480x128xf32, #tpu.memory_space<hbm>> -> memref<640x128xf32, #tpu.memory_space<hbm>>
      %dma_start3A_14 = arith.constant 0 : i32
      %dma_start3A_15 = tpu.memref_slice %arg10[%mul3A_2, %dma_start3A_14] : memref<10240x128xf32, #tpu.memory_space<vmem_shared>> -> memref<640x128xf32, #tpu.memory_space<vmem_shared>>
      tpu.enqueue_dma source(%dma_start3A_15 : memref<640x128xf32, #tpu.memory_space<vmem_shared>>) target(%dma_start3A_13 : memref<640x128xf32, #tpu.memory_space<hbm>>) target_semaphore(%run_scoped3A : memref<!tpu.dma_semaphore, #tpu.memory_space<semaphore_mem>>)
      %dma_wait3A = arith.constant 0 : i32
      %dma_wait3A_16 = tpu.memref_slice %arg6[%add3A_12, %dma_wait3A] : memref<20480x128xf32, #tpu.memory_space<hbm>> -> memref<640x128xf32, #tpu.memory_space<hbm>>
      %dma_wait3A_17 = arith.constant 0 : i32
      %dma_wait3A_18 = tpu.memref_slice %arg10[%mul3A_2, %dma_wait3A_17] : memref<10240x128xf32, #tpu.memory_space<vmem_shared>> -> memref<640x128xf32, #tpu.memory_space<vmem_shared>>
      tpu.wait_dma2 semaphore(%run_scoped3A : memref<!tpu.dma_semaphore, #tpu.memory_space<semaphore_mem>>) src(%dma_wait3A_18 : memref<640x128xf32, #tpu.memory_space<vmem_shared>>) dst(%dma_wait3A_16 : memref<640x128xf32, #tpu.memory_space<hbm>>)
      tpu.yield
    }) : () -> ()
    return
  }
}

module attributes {stable_mosaic.version = 14 : i64} {
  func.func @_tc1_body(%arg0: i32, %arg1: memref<1024x128xf32, #tpu.memory_space<vmem>>, %arg2: memref<1024x128xf32, #tpu.memory_space<vmem>>, %arg3: memref<1024x128xf32, #tpu.memory_space<vmem>>, %arg4: memref<1024x128xf32, #tpu.memory_space<vmem>>) attributes {dimension_semantics = [#tpu.dimension_semantics<arbitrary>], iteration_bounds = array<i64: 10>, scalar_prefetch = 0 : i64, scratch_operands = 0 : i64, tpu.core_type = #tpu.core_type<tc>, window_params = [{transform_indices = @transform_0, window_bounds = array<i64: 1024, 128>}, {transform_indices = @transform_1, window_bounds = array<i64: 1024, 128>}, {transform_indices = @transform_2, window_bounds = array<i64: 1024, 128>}, {transform_indices = @transform_3, window_bounds = array<i64: 1024, 128>}]} {
    %get3A = arith.constant 0 : index
    %get3A_0 = arith.constant 0 : index
    %get3A_1 = vector.load %arg1[%get3A, %get3A_0] : memref<1024x128xf32, #tpu.memory_space<vmem>>, vector<1024x128xf32>
    %get3A_2 = arith.constant 0 : index
    %get3A_3 = arith.constant 0 : index
    %get3A_4 = vector.load %arg2[%get3A_2, %get3A_3] : memref<1024x128xf32, #tpu.memory_space<vmem>>, vector<1024x128xf32>
    %get3A_5 = arith.constant 0 : index
    %get3A_6 = arith.constant 0 : index
    %get3A_7 = vector.load %arg3[%get3A_5, %get3A_6] : memref<1024x128xf32, #tpu.memory_space<vmem>>, vector<1024x128xf32>
    %slice3A = vector.extract_strided_slice %get3A_4 {offsets = [0, 0], sizes = [1024, 1], strides = [1, 1]} : vector<1024x128xf32> to vector<1024x1xf32>
    %slice3A_8 = vector.extract_strided_slice %get3A_7 {offsets = [0, 0], sizes = [1024, 1], strides = [1, 1]} : vector<1024x128xf32> to vector<1024x1xf32>
    %add3A = arith.addf %slice3A, %slice3A_8 : vector<1024x1xf32>
    %add3A_9 = arith.constant 1.000000e+00 : f32
    %add3A_10 = vector.broadcast %add3A_9 : f32 to vector<1024x1xf32>
    %add3A_11 = arith.addf %add3A, %add3A_10 : vector<1024x1xf32>
    %max3A = arith.constant 1.000000e+00 : f32
    %max3A_12 = vector.broadcast %max3A : f32 to vector<1024x1xf32>
    %max3A_13 = arith.maximumf %add3A_11, %max3A_12 : vector<1024x1xf32>
    %rsqrt3A = math.rsqrt %max3A_13 : vector<1024x1xf32>
    %mul3A = vector.broadcast %rsqrt3A : vector<1024x1xf32> to vector<1024x128xf32>
    %mul3A_14 = arith.mulf %get3A_1, %mul3A : vector<1024x128xf32>
    %swap3A = arith.constant 0 : index
    %swap3A_15 = arith.constant 0 : index
    %swap3A_16 = vector.load %arg4[%swap3A, %swap3A_15] : memref<1024x128xf32, #tpu.memory_space<vmem>>, vector<1024x128xf32>
    tpu.vector_store %arg4[%swap3A, %swap3A_15], %mul3A_14 {strides = array<i32>} : memref<1024x128xf32, #tpu.memory_space<vmem>>, vector<1024x128xf32>,
    return
  }
  func.func @transform_0(%arg0: i32) -> (i32, i32) {
    %c0_i32 = arith.constant 0 : i32
    %c0_i32_0 = arith.constant 0 : i32
    return %arg0, %c0_i32 : i32, i32
  }
  func.func @transform_1(%arg0: i32) -> (i32, i32) {
    %add3A = arith.constant 0 : i32
    %add3A_0 = arith.addi %arg0, %add3A : i32
    %c0_i32 = arith.constant 0 : i32
    %c0_i32_1 = arith.constant 0 : i32
    return %add3A_0, %c0_i32 : i32, i32
  }
  func.func @transform_2(%arg0: i32) -> (i32, i32) {
    %add3A = arith.constant 10 : i32
    %add3A_0 = arith.addi %arg0, %add3A : i32
    %c0_i32 = arith.constant 0 : i32
    %c0_i32_1 = arith.constant 0 : i32
    return %add3A_0, %c0_i32 : i32, i32
  }
  func.func @transform_3(%arg0: i32) -> (i32, i32) {
    %c0_i32 = arith.constant 0 : i32
    %c0_i32_0 = arith.constant 0 : i32
    return %arg0, %c0_i32 : i32, i32
  }
}

module attributes {stable_mosaic.version = 14 : i64} {
  func.func @_tc2_body(%arg0: i32, %arg1: memref<1024x128xf32, #tpu.memory_space<vmem>>, %arg2: memref<1024x128xf32, #tpu.memory_space<vmem>>, %arg3: memref<1024x128xf32, #tpu.memory_space<vmem>>, %arg4: memref<1024x128xf32, #tpu.memory_space<vmem>>, %arg5: memref<1024x128xf32, #tpu.memory_space<vmem>>, %arg6: memref<128x256xf32, #tpu.memory_space<vmem>>, %arg7: memref<1x256xf32, #tpu.memory_space<vmem>>, %arg8: memref<256x128xf32, #tpu.memory_space<vmem>>, %arg9: memref<1024x128xf32, #tpu.memory_space<vmem>>) attributes {dimension_semantics = [#tpu.dimension_semantics<arbitrary>], iteration_bounds = array<i64: 10>, scalar_prefetch = 0 : i64, scratch_operands = 0 : i64, tpu.core_type = #tpu.core_type<tc>, window_params = [{transform_indices = @transform_0, window_bounds = array<i64: 1024, 128>}, {transform_indices = @transform_1, window_bounds = array<i64: 1024, 128>}, {transform_indices = @transform_2, window_bounds = array<i64: 1024, 128>}, {transform_indices = @transform_3, window_bounds = array<i64: 1024, 128>}, {transform_indices = @transform_4, window_bounds = array<i64: 1024, 128>}, {pipeline_mode = #tpu.pipeline_mode<synchronous>, transform_indices = @transform_5, window_bounds = array<i64: 128, 256>}, {pipeline_mode = #tpu.pipeline_mode<synchronous>, transform_indices = @transform_6, window_bounds = array<i64: 1, 256>}, {pipeline_mode = #tpu.pipeline_mode<synchronous>, transform_indices = @transform_7, window_bounds = array<i64: 256, 128>}, {transform_indices = @transform_8, window_bounds = array<i64: 1024, 128>}]} {
    %get3A = arith.constant 0 : index
    %get3A_0 = arith.constant 0 : index
    %get3A_1 = vector.load %arg4[%get3A, %get3A_0] : memref<1024x128xf32, #tpu.memory_space<vmem>>, vector<1024x128xf32>
    %get3A_2 = arith.constant 0 : index
    %get3A_3 = arith.constant 0 : index
    %get3A_4 = vector.load %arg5[%get3A_2, %get3A_3] : memref<1024x128xf32, #tpu.memory_space<vmem>>, vector<1024x128xf32>
    %slice3A = vector.extract_strided_slice %get3A_1 {offsets = [0, 0], sizes = [1024, 1], strides = [1, 1]} : vector<1024x128xf32> to vector<1024x1xf32>
    %slice3A_5 = vector.extract_strided_slice %get3A_4 {offsets = [0, 0], sizes = [1024, 1], strides = [1, 1]} : vector<1024x128xf32> to vector<1024x1xf32>
    %add3A = arith.addf %slice3A, %slice3A_5 : vector<1024x1xf32>
    %add3A_6 = arith.constant 1.000000e+00 : f32
    %add3A_7 = vector.broadcast %add3A_6 : f32 to vector<1024x1xf32>
    %add3A_8 = arith.addf %add3A, %add3A_7 : vector<1024x1xf32>
    %max3A = arith.constant 1.000000e+00 : f32
    %max3A_9 = vector.broadcast %max3A : f32 to vector<1024x1xf32>
    %max3A_10 = arith.maximumf %add3A_8, %max3A_9 : vector<1024x1xf32>
    %rsqrt3A = math.rsqrt %max3A_10 : vector<1024x1xf32>
    %get3A_11 = arith.constant 0 : index
    %get3A_12 = arith.constant 0 : index
    %get3A_13 = vector.load %arg1[%get3A_11, %get3A_12] : memref<1024x128xf32, #tpu.memory_space<vmem>>, vector<1024x128xf32>
    %get3A_14 = arith.constant 0 : index
    %get3A_15 = arith.constant 0 : index
    %get3A_16 = vector.load %arg2[%get3A_14, %get3A_15] : memref<1024x128xf32, #tpu.memory_space<vmem>>, vector<1024x128xf32>
    %add3A_17 = arith.addf %get3A_13, %get3A_16 : vector<1024x128xf32>
    %get3A_18 = arith.constant 0 : index
    %get3A_19 = arith.constant 0 : index
    %get3A_20 = vector.load %arg3[%get3A_18, %get3A_19] : memref<1024x128xf32, #tpu.memory_space<vmem>>, vector<1024x128xf32>
    %add3A_21 = arith.addf %add3A_17, %get3A_20 : vector<1024x128xf32>
    %mul3A = vector.broadcast %rsqrt3A : vector<1024x1xf32> to vector<1024x128xf32>
    %mul3A_22 = arith.mulf %add3A_21, %mul3A : vector<1024x128xf32>
    %get3A_23 = arith.constant 0 : index
    %get3A_24 = arith.constant 0 : index
    %get3A_25 = vector.load %arg6[%get3A_23, %get3A_24] : memref<128x256xf32, #tpu.memory_space<vmem>>, vector<128x256xf32>
    %dot_general3A = arith.constant dense<0.000000e+00> : vector<1024x256xf32>
    %dot_general3A_26 = tpu.matmul %mul3A_22, %get3A_25, %dot_general3A {dimension_numbers = #tpu.dot_dimension_numbers<[1], [0], [0], [1], [0, 0, 1, 1], [], []>, transpose_lhs_hint = false} : vector<1024x128xf32>, vector<128x256xf32>, vector<1024x256xf32> -> vector<1024x256xf32>
    %get3A_27 = arith.constant 0 : index
    %get3A_28 = arith.constant 0 : index
    %get3A_29 = vector.load %arg7[%get3A_27, %get3A_28] : memref<1x256xf32, #tpu.memory_space<vmem>>, vector<1x256xf32>
    %add3A_30 = vector.broadcast %get3A_29 : vector<1x256xf32> to vector<1024x256xf32>
    %add3A_31 = arith.addf %dot_general3A_26, %add3A_30 : vector<1024x256xf32>
    %max3A_32 = arith.constant 0.000000e+00 : f32
    %max3A_33 = vector.broadcast %max3A_32 : f32 to vector<1024x256xf32>
    %max3A_34 = arith.maximumf %add3A_31, %max3A_33 : vector<1024x256xf32>
    %get3A_35 = arith.constant 0 : index
    %get3A_36 = arith.constant 0 : index
    %get3A_37 = vector.load %arg8[%get3A_35, %get3A_36] : memref<256x128xf32, #tpu.memory_space<vmem>>, vector<256x128xf32>
    %dot_general3A_38 = arith.constant dense<0.000000e+00> : vector<1024x128xf32>
    %dot_general3A_39 = tpu.matmul %max3A_34, %get3A_37, %dot_general3A_38 {dimension_numbers = #tpu.dot_dimension_numbers<[1], [0], [0], [1], [0, 0, 1, 1], [], []>, transpose_lhs_hint = false} : vector<1024x256xf32>, vector<256x128xf32>, vector<1024x128xf32> -> vector<1024x128xf32>
    %mul3A_40 = vector.broadcast %rsqrt3A : vector<1024x1xf32> to vector<1024x128xf32>
    %mul3A_41 = arith.mulf %dot_general3A_39, %mul3A_40 : vector<1024x128xf32>
    %swap3A = arith.constant 0 : index
    %swap3A_42 = arith.constant 0 : index
    %swap3A_43 = vector.load %arg9[%swap3A, %swap3A_42] : memref<1024x128xf32, #tpu.memory_space<vmem>>, vector<1024x128xf32>
    tpu.vector_store %arg9[%swap3A, %swap3A_42], %mul3A_41 {strides = array<i32>} : memref<1024x128xf32, #tpu.memory_space<vmem>>, vector<1024x128xf32>,
    return
  }
  func.func @transform_0(%arg0: i32) -> (i32, i32) {
    %add3A = arith.constant 0 : i32
    %add3A_0 = arith.addi %arg0, %add3A : i32
    %c0_i32 = arith.constant 0 : i32
    %c0_i32_1 = arith.constant 0 : i32
    return %add3A_0, %c0_i32 : i32, i32
  }
  func.func @transform_1(%arg0: i32) -> (i32, i32) {
    %add3A = arith.constant 10 : i32
    %add3A_0 = arith.addi %arg0, %add3A : i32
    %c0_i32 = arith.constant 0 : i32
    %c0_i32_1 = arith.constant 0 : i32
    return %add3A_0, %c0_i32 : i32, i32
  }
  func.func @transform_2(%arg0: i32) -> (i32, i32) {
    %c0_i32 = arith.constant 0 : i32
    %c0_i32_0 = arith.constant 0 : i32
    return %arg0, %c0_i32 : i32, i32
  }
  func.func @transform_3(%arg0: i32) -> (i32, i32) {
    %add3A = arith.constant 0 : i32
    %add3A_0 = arith.addi %arg0, %add3A : i32
    %c0_i32 = arith.constant 0 : i32
    %c0_i32_1 = arith.constant 0 : i32
    return %add3A_0, %c0_i32 : i32, i32
  }
  func.func @transform_4(%arg0: i32) -> (i32, i32) {
    %add3A = arith.constant 10 : i32
    %add3A_0 = arith.addi %arg0, %add3A : i32
    %c0_i32 = arith.constant 0 : i32
    %c0_i32_1 = arith.constant 0 : i32
    return %add3A_0, %c0_i32 : i32, i32
  }
  func.func @transform_5(%arg0: i32) -> (i32, i32) {
    %c0_i32 = arith.constant 0 : i32
    %c0_i32_0 = arith.constant 0 : i32
    %c0_i32_1 = arith.constant 0 : i32
    return %c0_i32, %c0_i32_0 : i32, i32
  }
  func.func @transform_6(%arg0: i32) -> (i32, i32) {
    %c0_i32 = arith.constant 0 : i32
    %c0_i32_0 = arith.constant 0 : i32
    %c0_i32_1 = arith.constant 0 : i32
    return %c0_i32, %c0_i32_0 : i32, i32
  }
  func.func @transform_7(%arg0: i32) -> (i32, i32) {
    %c0_i32 = arith.constant 0 : i32
    %c0_i32_0 = arith.constant 0 : i32
    %c0_i32_1 = arith.constant 0 : i32
    return %c0_i32, %c0_i32_0 : i32, i32
  }
  func.func @transform_8(%arg0: i32) -> (i32, i32) {
    %c0_i32 = arith.constant 0 : i32
    %c0_i32_0 = arith.constant 0 : i32
    return %arg0, %c0_i32 : i32, i32
  }
}

module attributes {stable_mosaic.version = 14 : i64} {
  func.func @_tc3_body(%arg0: i32, %arg1: memref<1024x128xf32, #tpu.memory_space<vmem>>, %arg2: memref<1024x128xf32, #tpu.memory_space<vmem>>, %arg3: memref<1024x128xf32, #tpu.memory_space<vmem>>, %arg4: memref<1024x128xf32, #tpu.memory_space<vmem>>, %arg5: memref<1024x128xf32, #tpu.memory_space<vmem>>, %arg6: memref<1x128xf32, #tpu.memory_space<vmem>>, %arg7: memref<1024x128xf32, #tpu.memory_space<vmem>>) attributes {dimension_semantics = [#tpu.dimension_semantics<arbitrary>], iteration_bounds = array<i64: 10>, scalar_prefetch = 0 : i64, scratch_operands = 0 : i64, tpu.core_type = #tpu.core_type<tc>, window_params = [{transform_indices = @transform_0, window_bounds = array<i64: 1024, 128>}, {transform_indices = @transform_1, window_bounds = array<i64: 1024, 128>}, {transform_indices = @transform_2, window_bounds = array<i64: 1024, 128>}, {transform_indices = @transform_3, window_bounds = array<i64: 1024, 128>}, {transform_indices = @transform_4, window_bounds = array<i64: 1024, 128>}, {pipeline_mode = #tpu.pipeline_mode<synchronous>, transform_indices = @transform_5, window_bounds = array<i64: 1, 128>}, {transform_indices = @transform_6, window_bounds = array<i64: 1024, 128>}]} {
    %get3A = arith.constant 0 : index
    %get3A_0 = arith.constant 0 : index
    %get3A_1 = vector.load %arg4[%get3A, %get3A_0] : memref<1024x128xf32, #tpu.memory_space<vmem>>, vector<1024x128xf32>
    %get3A_2 = arith.constant 0 : index
    %get3A_3 = arith.constant 0 : index
    %get3A_4 = vector.load %arg5[%get3A_2, %get3A_3] : memref<1024x128xf32, #tpu.memory_space<vmem>>, vector<1024x128xf32>
    %slice3A = vector.extract_strided_slice %get3A_1 {offsets = [0, 0], sizes = [1024, 1], strides = [1, 1]} : vector<1024x128xf32> to vector<1024x1xf32>
    %slice3A_5 = vector.extract_strided_slice %get3A_4 {offsets = [0, 0], sizes = [1024, 1], strides = [1, 1]} : vector<1024x128xf32> to vector<1024x1xf32>
    %add3A = arith.addf %slice3A, %slice3A_5 : vector<1024x1xf32>
    %add3A_6 = arith.constant 1.000000e+00 : f32
    %add3A_7 = vector.broadcast %add3A_6 : f32 to vector<1024x1xf32>
    %add3A_8 = arith.addf %add3A, %add3A_7 : vector<1024x1xf32>
    %max3A = arith.constant 1.000000e+00 : f32
    %max3A_9 = vector.broadcast %max3A : f32 to vector<1024x1xf32>
    %max3A_10 = arith.maximumf %add3A_8, %max3A_9 : vector<1024x1xf32>
    %rsqrt3A = math.rsqrt %max3A_10 : vector<1024x1xf32>
    %get3A_11 = arith.constant 0 : index
    %get3A_12 = arith.constant 0 : index
    %get3A_13 = vector.load %arg1[%get3A_11, %get3A_12] : memref<1024x128xf32, #tpu.memory_space<vmem>>, vector<1024x128xf32>
    %get3A_14 = arith.constant 0 : index
    %get3A_15 = arith.constant 0 : index
    %get3A_16 = vector.load %arg2[%get3A_14, %get3A_15] : memref<1024x128xf32, #tpu.memory_space<vmem>>, vector<1024x128xf32>
    %add3A_17 = arith.addf %get3A_13, %get3A_16 : vector<1024x128xf32>
    %get3A_18 = arith.constant 0 : index
    %get3A_19 = arith.constant 0 : index
    %get3A_20 = vector.load %arg3[%get3A_18, %get3A_19] : memref<1024x128xf32, #tpu.memory_space<vmem>>, vector<1024x128xf32>
    %add3A_21 = arith.addf %add3A_17, %get3A_20 : vector<1024x128xf32>
    %mul3A = vector.broadcast %rsqrt3A : vector<1024x1xf32> to vector<1024x128xf32>
    %mul3A_22 = arith.mulf %add3A_21, %mul3A : vector<1024x128xf32>
    %get3A_23 = arith.constant 0 : index
    %get3A_24 = arith.constant 0 : index
    %get3A_25 = vector.load %arg6[%get3A_23, %get3A_24] : memref<1x128xf32, #tpu.memory_space<vmem>>, vector<1x128xf32>
    %add3A_26 = vector.broadcast %get3A_25 : vector<1x128xf32> to vector<1024x128xf32>
    %add3A_27 = arith.addf %mul3A_22, %add3A_26 : vector<1024x128xf32>
    %max3A_28 = arith.constant 0.000000e+00 : f32
    %max3A_29 = vector.broadcast %max3A_28 : f32 to vector<1024x128xf32>
    %max3A_30 = arith.maximumf %add3A_27, %max3A_29 : vector<1024x128xf32>
    %mul3A_31 = vector.broadcast %rsqrt3A : vector<1024x1xf32> to vector<1024x128xf32>
    %mul3A_32 = arith.mulf %max3A_30, %mul3A_31 : vector<1024x128xf32>
    %swap3A = arith.constant 0 : index
    %swap3A_33 = arith.constant 0 : index
    %swap3A_34 = vector.load %arg7[%swap3A, %swap3A_33] : memref<1024x128xf32, #tpu.memory_space<vmem>>, vector<1024x128xf32>
    tpu.vector_store %arg7[%swap3A, %swap3A_33], %mul3A_32 {strides = array<i32>} : memref<1024x128xf32, #tpu.memory_space<vmem>>, vector<1024x128xf32>,
    return
  }
  func.func @transform_0(%arg0: i32) -> (i32, i32) {
    %add3A = arith.constant 0 : i32
    %add3A_0 = arith.addi %arg0, %add3A : i32
    %c0_i32 = arith.constant 0 : i32
    %c0_i32_1 = arith.constant 0 : i32
    return %add3A_0, %c0_i32 : i32, i32
  }
  func.func @transform_1(%arg0: i32) -> (i32, i32) {
    %add3A = arith.constant 10 : i32
    %add3A_0 = arith.addi %arg0, %add3A : i32
    %c0_i32 = arith.constant 0 : i32
    %c0_i32_1 = arith.constant 0 : i32
    return %add3A_0, %c0_i32 : i32, i32
  }
  func.func @transform_2(%arg0: i32) -> (i32, i32) {
    %c0_i32 = arith.constant 0 : i32
    %c0_i32_0 = arith.constant 0 : i32
    return %arg0, %c0_i32 : i32, i32
  }
  func.func @transform_3(%arg0: i32) -> (i32, i32) {
    %add3A = arith.constant 0 : i32
    %add3A_0 = arith.addi %arg0, %add3A : i32
    %c0_i32 = arith.constant 0 : i32
    %c0_i32_1 = arith.constant 0 : i32
    return %add3A_0, %c0_i32 : i32, i32
  }
  func.func @transform_4(%arg0: i32) -> (i32, i32) {
    %add3A = arith.constant 10 : i32
    %add3A_0 = arith.addi %arg0, %add3A : i32
    %c0_i32 = arith.constant 0 : i32
    %c0_i32_1 = arith.constant 0 : i32
    return %add3A_0, %c0_i32 : i32, i32
  }
  func.func @transform_5(%arg0: i32) -> (i32, i32) {
    %c0_i32 = arith.constant 0 : i32
    %c0_i32_0 = arith.constant 0 : i32
    %c0_i32_1 = arith.constant 0 : i32
    return %c0_i32, %c0_i32_0 : i32, i32
  }
  func.func @transform_6(%arg0: i32) -> (i32, i32) {
    %c0_i32 = arith.constant 0 : i32
    %c0_i32_0 = arith.constant 0 : i32
    return %arg0, %c0_i32 : i32, i32
  }
}

module attributes {stable_mosaic.version = 14 : i64} {
  func.func @_tc4_body(%arg0: i32, %arg1: memref<1024x128xf32, #tpu.memory_space<vmem>>, %arg2: memref<1024x128xf32, #tpu.memory_space<vmem>>, %arg3: memref<1024x128xf32, #tpu.memory_space<vmem>>, %arg4: memref<1024x128xf32, #tpu.memory_space<vmem>>, %arg5: memref<1024x128xf32, #tpu.memory_space<vmem>>, %arg6: memref<128x64xf32, #tpu.memory_space<vmem>>, %arg7: memref<1x64xf32, #tpu.memory_space<vmem>>, %arg8: memref<64x128xf32, #tpu.memory_space<vmem>>, %arg9: memref<1x128xf32, #tpu.memory_space<vmem>>, %arg10: memref<128x128xf32, #tpu.memory_space<vmem>>, %arg11: memref<1x128xf32, #tpu.memory_space<vmem>>, %arg12: memref<1024x128xf32, #tpu.memory_space<vmem>>, %arg13: memref<1024x64xf32, #tpu.memory_space<vmem>>) attributes {dimension_semantics = [#tpu.dimension_semantics<arbitrary>], iteration_bounds = array<i64: 10>, scalar_prefetch = 0 : i64, scratch_operands = 0 : i64, tpu.core_type = #tpu.core_type<tc>, window_params = [{transform_indices = @transform_0, window_bounds = array<i64: 1024, 128>}, {transform_indices = @transform_1, window_bounds = array<i64: 1024, 128>}, {transform_indices = @transform_2, window_bounds = array<i64: 1024, 128>}, {transform_indices = @transform_3, window_bounds = array<i64: 1024, 128>}, {transform_indices = @transform_4, window_bounds = array<i64: 1024, 128>}, {pipeline_mode = #tpu.pipeline_mode<synchronous>, transform_indices = @transform_5, window_bounds = array<i64: 128, 64>}, {pipeline_mode = #tpu.pipeline_mode<synchronous>, transform_indices = @transform_6, window_bounds = array<i64: 1, 64>}, {pipeline_mode = #tpu.pipeline_mode<synchronous>, transform_indices = @transform_7, window_bounds = array<i64: 64, 128>}, {pipeline_mode = #tpu.pipeline_mode<synchronous>, transform_indices = @transform_8, window_bounds = array<i64: 1, 128>}, {pipeline_mode = #tpu.pipeline_mode<synchronous>, transform_indices = @transform_9, window_bounds = array<i64: 128, 128>}, {pipeline_mode = #tpu.pipeline_mode<synchronous>, transform_indices = @transform_10, window_bounds = array<i64: 1, 128>}, {transform_indices = @transform_11, window_bounds = array<i64: 1024, 128>}, {transform_indices = @transform_12, window_bounds = array<i64: 1024, 64>}]} {
    %get3A = arith.constant 0 : index
    %get3A_0 = arith.constant 0 : index
    %get3A_1 = vector.load %arg4[%get3A, %get3A_0] : memref<1024x128xf32, #tpu.memory_space<vmem>>, vector<1024x128xf32>
    %get3A_2 = arith.constant 0 : index
    %get3A_3 = arith.constant 0 : index
    %get3A_4 = vector.load %arg5[%get3A_2, %get3A_3] : memref<1024x128xf32, #tpu.memory_space<vmem>>, vector<1024x128xf32>
    %slice3A = vector.extract_strided_slice %get3A_1 {offsets = [0, 0], sizes = [1024, 1], strides = [1, 1]} : vector<1024x128xf32> to vector<1024x1xf32>
    %slice3A_5 = vector.extract_strided_slice %get3A_4 {offsets = [0, 0], sizes = [1024, 1], strides = [1, 1]} : vector<1024x128xf32> to vector<1024x1xf32>
    %add3A = arith.addf %slice3A, %slice3A_5 : vector<1024x1xf32>
    %add3A_6 = arith.constant 1.000000e+00 : f32
    %add3A_7 = vector.broadcast %add3A_6 : f32 to vector<1024x1xf32>
    %add3A_8 = arith.addf %add3A, %add3A_7 : vector<1024x1xf32>
    %max3A = arith.constant 1.000000e+00 : f32
    %max3A_9 = vector.broadcast %max3A : f32 to vector<1024x1xf32>
    %max3A_10 = arith.maximumf %add3A_8, %max3A_9 : vector<1024x1xf32>
    %rsqrt3A = math.rsqrt %max3A_10 : vector<1024x1xf32>
    %get3A_11 = arith.constant 0 : index
    %get3A_12 = arith.constant 0 : index
    %get3A_13 = vector.load %arg1[%get3A_11, %get3A_12] : memref<1024x128xf32, #tpu.memory_space<vmem>>, vector<1024x128xf32>
    %get3A_14 = arith.constant 0 : index
    %get3A_15 = arith.constant 0 : index
    %get3A_16 = vector.load %arg2[%get3A_14, %get3A_15] : memref<1024x128xf32, #tpu.memory_space<vmem>>, vector<1024x128xf32>
    %add3A_17 = arith.addf %get3A_13, %get3A_16 : vector<1024x128xf32>
    %get3A_18 = arith.constant 0 : index
    %get3A_19 = arith.constant 0 : index
    %get3A_20 = vector.load %arg3[%get3A_18, %get3A_19] : memref<1024x128xf32, #tpu.memory_space<vmem>>, vector<1024x128xf32>
    %add3A_21 = arith.addf %add3A_17, %get3A_20 : vector<1024x128xf32>
    %mul3A = vector.broadcast %rsqrt3A : vector<1024x1xf32> to vector<1024x128xf32>
    %mul3A_22 = arith.mulf %add3A_21, %mul3A : vector<1024x128xf32>
    %get3A_23 = arith.constant 0 : index
    %get3A_24 = arith.constant 0 : index
    %get3A_25 = vector.load %arg6[%get3A_23, %get3A_24] : memref<128x64xf32, #tpu.memory_space<vmem>>, vector<128x64xf32>
    %dot_general3A = arith.constant dense<0.000000e+00> : vector<1024x64xf32>
    %dot_general3A_26 = tpu.matmul %mul3A_22, %get3A_25, %dot_general3A {dimension_numbers = #tpu.dot_dimension_numbers<[1], [0], [0], [1], [0, 0, 1, 1], [], []>, transpose_lhs_hint = false} : vector<1024x128xf32>, vector<128x64xf32>, vector<1024x64xf32> -> vector<1024x64xf32>
    %get3A_27 = arith.constant 0 : index
    %get3A_28 = arith.constant 0 : index
    %get3A_29 = vector.load %arg7[%get3A_27, %get3A_28] : memref<1x64xf32, #tpu.memory_space<vmem>>, vector<1x64xf32>
    %add3A_30 = vector.broadcast %get3A_29 : vector<1x64xf32> to vector<1024x64xf32>
    %add3A_31 = arith.addf %dot_general3A_26, %add3A_30 : vector<1024x64xf32>
    %get3A_32 = arith.constant 0 : index
    %get3A_33 = arith.constant 0 : index
    %get3A_34 = vector.load %arg8[%get3A_32, %get3A_33] : memref<64x128xf32, #tpu.memory_space<vmem>>, vector<64x128xf32>
    %dot_general3A_35 = arith.constant dense<0.000000e+00> : vector<1024x128xf32>
    %dot_general3A_36 = tpu.matmul %add3A_31, %get3A_34, %dot_general3A_35 {dimension_numbers = #tpu.dot_dimension_numbers<[1], [0], [0], [1], [0, 0, 1, 1], [], []>, transpose_lhs_hint = false} : vector<1024x64xf32>, vector<64x128xf32>, vector<1024x128xf32> -> vector<1024x128xf32>
    %get3A_37 = arith.constant 0 : index
    %get3A_38 = arith.constant 0 : index
    %get3A_39 = vector.load %arg9[%get3A_37, %get3A_38] : memref<1x128xf32, #tpu.memory_space<vmem>>, vector<1x128xf32>
    %add3A_40 = vector.broadcast %get3A_39 : vector<1x128xf32> to vector<1024x128xf32>
    %add3A_41 = arith.addf %dot_general3A_36, %add3A_40 : vector<1024x128xf32>
    %max3A_42 = arith.constant 0.000000e+00 : f32
    %max3A_43 = vector.broadcast %max3A_42 : f32 to vector<1024x128xf32>
    %max3A_44 = arith.maximumf %add3A_41, %max3A_43 : vector<1024x128xf32>
    %get3A_45 = arith.constant 0 : index
    %get3A_46 = arith.constant 0 : index
    %get3A_47 = vector.load %arg10[%get3A_45, %get3A_46] : memref<128x128xf32, #tpu.memory_space<vmem>>, vector<128x128xf32>
    %dot_general3A_48 = arith.constant dense<0.000000e+00> : vector<1024x128xf32>
    %dot_general3A_49 = tpu.matmul %max3A_44, %get3A_47, %dot_general3A_48 {dimension_numbers = #tpu.dot_dimension_numbers<[1], [0], [0], [1], [0, 0, 1, 1], [], []>, transpose_lhs_hint = false} : vector<1024x128xf32>, vector<128x128xf32>, vector<1024x128xf32> -> vector<1024x128xf32>
    %get3A_50 = arith.constant 0 : index
    %get3A_51 = arith.constant 0 : index
    %get3A_52 = vector.load %arg11[%get3A_50, %get3A_51] : memref<1x128xf32, #tpu.memory_space<vmem>>, vector<1x128xf32>
    %add3A_53 = vector.broadcast %get3A_52 : vector<1x128xf32> to vector<1024x128xf32>
    %add3A_54 = arith.addf %dot_general3A_49, %add3A_53 : vector<1024x128xf32>
    %swap3A = arith.constant 0 : index
    %swap3A_55 = arith.constant 0 : index
    %swap3A_56 = vector.load %arg12[%swap3A, %swap3A_55] : memref<1024x128xf32, #tpu.memory_space<vmem>>, vector<1024x128xf32>
    tpu.vector_store %arg12[%swap3A, %swap3A_55], %add3A_54 {strides = array<i32>} : memref<1024x128xf32, #tpu.memory_space<vmem>>, vector<1024x128xf32>,
    %swap3A_57 = arith.constant 0 : index
    %swap3A_58 = arith.constant 0 : index
    %swap3A_59 = vector.load %arg13[%swap3A_57, %swap3A_58] : memref<1024x64xf32, #tpu.memory_space<vmem>>, vector<1024x64xf32>
    tpu.vector_store %arg13[%swap3A_57, %swap3A_58], %add3A_31 {strides = array<i32>} : memref<1024x64xf32, #tpu.memory_space<vmem>>, vector<1024x64xf32>,
    return
  }
  func.func @transform_0(%arg0: i32) -> (i32, i32) {
    %add3A = arith.constant 0 : i32
    %add3A_0 = arith.addi %arg0, %add3A : i32
    %c0_i32 = arith.constant 0 : i32
    %c0_i32_1 = arith.constant 0 : i32
    return %add3A_0, %c0_i32 : i32, i32
  }
  func.func @transform_1(%arg0: i32) -> (i32, i32) {
    %add3A = arith.constant 10 : i32
    %add3A_0 = arith.addi %arg0, %add3A : i32
    %c0_i32 = arith.constant 0 : i32
    %c0_i32_1 = arith.constant 0 : i32
    return %add3A_0, %c0_i32 : i32, i32
  }
  func.func @transform_2(%arg0: i32) -> (i32, i32) {
    %c0_i32 = arith.constant 0 : i32
    %c0_i32_0 = arith.constant 0 : i32
    return %arg0, %c0_i32 : i32, i32
  }
  func.func @transform_3(%arg0: i32) -> (i32, i32) {
    %add3A = arith.constant 0 : i32
    %add3A_0 = arith.addi %arg0, %add3A : i32
    %c0_i32 = arith.constant 0 : i32
    %c0_i32_1 = arith.constant 0 : i32
    return %add3A_0, %c0_i32 : i32, i32
  }
  func.func @transform_4(%arg0: i32) -> (i32, i32) {
    %add3A = arith.constant 10 : i32
    %add3A_0 = arith.addi %arg0, %add3A : i32
    %c0_i32 = arith.constant 0 : i32
    %c0_i32_1 = arith.constant 0 : i32
    return %add3A_0, %c0_i32 : i32, i32
  }
  func.func @transform_5(%arg0: i32) -> (i32, i32) {
    %c0_i32 = arith.constant 0 : i32
    %c0_i32_0 = arith.constant 0 : i32
    %c0_i32_1 = arith.constant 0 : i32
    return %c0_i32, %c0_i32_0 : i32, i32
  }
  func.func @transform_6(%arg0: i32) -> (i32, i32) {
    %c0_i32 = arith.constant 0 : i32
    %c0_i32_0 = arith.constant 0 : i32
    %c0_i32_1 = arith.constant 0 : i32
    return %c0_i32, %c0_i32_0 : i32, i32
  }
  func.func @transform_7(%arg0: i32) -> (i32, i32) {
    %c0_i32 = arith.constant 0 : i32
    %c0_i32_0 = arith.constant 0 : i32
    %c0_i32_1 = arith.constant 0 : i32
    return %c0_i32, %c0_i32_0 : i32, i32
  }
  func.func @transform_8(%arg0: i32) -> (i32, i32) {
    %c0_i32 = arith.constant 0 : i32
    %c0_i32_0 = arith.constant 0 : i32
    %c0_i32_1 = arith.constant 0 : i32
    return %c0_i32, %c0_i32_0 : i32, i32
  }
  func.func @transform_9(%arg0: i32) -> (i32, i32) {
    %c0_i32 = arith.constant 0 : i32
    %c0_i32_0 = arith.constant 0 : i32
    %c0_i32_1 = arith.constant 0 : i32
    return %c0_i32, %c0_i32_0 : i32, i32
  }
  func.func @transform_10(%arg0: i32) -> (i32, i32) {
    %c0_i32 = arith.constant 0 : i32
    %c0_i32_0 = arith.constant 0 : i32
    %c0_i32_1 = arith.constant 0 : i32
    return %c0_i32, %c0_i32_0 : i32, i32
  }
  func.func @transform_11(%arg0: i32) -> (i32, i32) {
    %c0_i32 = arith.constant 0 : i32
    %c0_i32_0 = arith.constant 0 : i32
    return %arg0, %c0_i32 : i32, i32
  }
  func.func @transform_12(%arg0: i32) -> (i32, i32) {
    %c0_i32 = arith.constant 0 : i32
    %c0_i32_0 = arith.constant 0 : i32
    return %arg0, %c0_i32 : i32, i32
  }
}

</mosaic_0001>

<sc_bundles>
// kernel: kernel.10.cloned.1.call-start
scs
__scs_entry_jumppad:
0x0: {  	(pc) =	sbr.rel $0x88, $3  }
0x1: {  	(tag) =	ssettag $0x0;
	lr =	simm.s32 $0x1  }
0x2: {  	[smem:$0x3F95] =	sst lr;
	_ =	strace $0xD0000000  }
0x3: {  	_ = 	snop  }
0x4: {  	_ = 	snop  }
0x5: {  	_ = 	snop  }
0x6: {  	_ = 	snop  }
0x7: {  	_ = 	snop  }
__scs_overlays_trampoline_lowered:
0x8: {  	[smem:$0x3FA4] =	sst s0  }
0x9: {  	[smem:$0x3FA5] =	sst s1  }
0xa: {  	[smem:$0x3FA6] =	sst s2  }
0xb: {  	[smem:$0x3FA7] =	sst s3  }
0xc: {  	[smem:$0x3FA8] =	sst s4  }
0xd: {  	[smem:$0x3FA9] =	sst s5  }
0xe: {  	[smem:$0x3FAA] =	sst s6  }
0xf: {  	[smem:$0x3FAB] =	sst s7  }
0x10: {  	[smem:$0x3FAC] =	sst s8  }
0x11: {  	[smem:$0x3FAD] =	sst s9;
	s0 =	simm.s32 @!p0 $0x0  }
0x12: {  	s1 =	sld [smem:$0x3F93];
	s0 =	simm.s32 @p0 $0x1  }
0x13: {  	[smem:$0x3FAE] =	sst s0;
	s0 =	simm.s32 @!p1 $0x0  }
0x14: {  	s2 =	sld [smem:$0x3F92];
	s0 =	simm.s32 @p1 $0x1  }
0x15: {  	[smem:$0x3FAF] =	sst s0;
	s0 =	simm.s32 @!p2 $0x0  }
0x16: {  	s3 =	sld [smem:$0x3FDB];
	s0 =	simm.s32 @p2 $0x1  }
0x17: {  	s4 =	simm.s32 $0x1BF5;
	[smem:$0x3FB1] =	sst s0  }
0x18: {  	s0 =	sld [smem:$0x3F94];
	_ =	swait.ge [sflag:s4], $0x0  }
0x19: {  	s7 =	sld [smem:$0x3F95]  }
0x1a: {  	s8 =	sadd.s32 $0xFFFFE003, lr  }
0x1b: {  	s9 =	sadd.s32 $0xFFFFFEF7, lr;
	s5 =	simm.s32 $0xFFFFFFFF;
	p2 =	slt.u32 s8, $0xFFFFF086  }
0x1c: {  	p1 =	slt.u32 s9, $0xF7A;
	s5 =	simm.s32 @!p2 $0x0  }
0x1d: {  	s5 =	simm.s32 @p1 $0x1;
	p0 =	seq.s32 s7, s2  }
0x1e: {  	s7 =	smul.u32 @!p0 $0xF7A, s2;
	p2 =	seq.s32 @!p0 s5, $0x0  }
0x1f: {  	s9 =	smul.u32 $0xF7A, s1;
	s8 =	simm.s32 @!p0 $0x1BF5;
	p2 =	por !p2, p0  }
0x20: {  	[sflag:s8] =	ssyncset.s32 @!p0 $0xFFFFF086;
	s6 =	sadd.s32 @!p0 s3, s7;
	s7 =	simm.s32 @!p0 $0x108  }
0x21: {  	s3 =	sadd.s32 s3, s9;
	s6 =	sadd.s32 @!p0 $0x88, s6;
	s7 =	simm.s32 @p2 $0x1082  }
0x22: {  	[simem:s7], [sflag:s8] =	dma.local @!p0 [hbm:s6], $0xF7A  }
0x23: {  	s9 =	sor.u32 $0xD0000000, s2;
	s6 =	simm.s32 $0x108;
	_ =	swait.ge @!p0 [sflag:s8], $0x0  }
0x24: {  	s3 =	sadd.s32 $0x88, s3;
	s6 =	simm.s32 @!p1 $0x1082;
	[sflag:s4] =	ssyncset.s32 $0xFFFFF086  }
0x25: {  	[simem:s6], [sflag:s4] =	dma.local [hbm:s3], $0xF7A  }
0x26: {  	[smem:$0x3F95] =	sst s1;
	(tag) =	ssettag s2;
	_ =	strace s9  }
0x27: {  	s1 =	sld [smem:$0x3FA5]  }
0x28: {  	s2 =	sld [smem:$0x3FA6]  }
0x29: {  	s4 =	sld [smem:$0x3FA8]  }
0x2a: {  	p0 =	seq.s32 s5, $0x0;
	s5 =	sld [smem:$0x3FA9]  }
0x2b: {  	s6 =	sld [smem:$0x3FAA]  }
0x2c: {  	s7 =	sld [smem:$0x3FAB]  }
0x2d: {  	s3 =	simm.s32 $0x108;
	s8 =	sld [smem:$0x3FAC]  }
0x2e: {  	s3 =	simm.s32 @!p0 $0x1082;
	s9 =	sld [smem:$0x3FAD]  }
0x2f: {  	lr =	sadd.s32 s0, s3;
	s0 =	sld [smem:$0x3FA4]  }
0x30: {  	s3 =	sld [smem:$0x3FA7]  }
0x31: {  	[smem:$0x3FB0] =	sst s10  }
0x32: {  	s10 =	sld [smem:$0x3FAE];
	_ =	sdelay $0x3  }
0x33: {  	p0 =	seq.s32 s10, $0x1;
	s10 =	sld [smem:$0x3FB0];
	_ =	sdelay $0x3  }
0x34: {  	[smem:$0x3FB0] =	sst s10  }
0x35: {  	s10 =	sld [smem:$0x3FAF];
	_ =	sdelay $0x3  }
0x36: {  	p1 =	seq.s32 s10, $0x1;
	s10 =	sld [smem:$0x3FB0];
	_ =	sdelay $0x3  }
0x37: {  	[smem:$0x3FB0] =	sst s10  }
0x38: {  	s10 =	sld [smem:$0x3FB1]  }
0x39: {  	_ = 	snop;
	(pc) =	sbr.ind lr, $3  }
0x3a: {  	_ = 	snop  }
0x3b: {  	_ = 	snop  }
0x3c: {  	p2 =	seq.s32 s10, $0x1;
	s10 =	sld [smem:$0x3FB0]  }
0x3d: {  	_ =	shalt  }
0x3e: {  	_ =	shalt  }
0x3f: {  	_ =	shalt  }
0x40: {  	_ =	shalt  }
0x41: {  	_ =	shalt  }
0x42: {  	_ =	shalt  }
0x43: {  	_ =	shalt  }
0x44: {  	_ =	shalt  }
0x45: {  	_ =	shalt  }
0x46: {  	_ =	shalt  }
0x47: {  	_ =	shalt  }
0x48: {  	_ =	shalt  }
0x49: {  	_ =	shalt  }
0x4a: {  	_ =	shalt  }
0x4b: {  	_ =	shalt  }
0x4c: {  	_ =	shalt  }
0x4d: {  	_ =	shalt  }
0x4e: {  	_ =	shalt  }
0x4f: {  	_ =	shalt  }
0x50: {  	_ =	shalt  }
0x51: {  	_ =	shalt  }
0x52: {  	_ =	shalt  }
0x53: {  	_ =	shalt  }
0x54: {  	_ =	shalt  }
0x55: {  	_ =	shalt  }
0x56: {  	_ =	shalt  }
0x57: {  	_ =	shalt  }
0x58: {  	_ =	shalt  }
0x59: {  	_ =	shalt  }
0x5a: {  	_ =	shalt  }
0x5b: {  	_ =	shalt  }
0x5c: {  	_ =	shalt  }
0x5d: {  	_ =	shalt  }
0x5e: {  	_ =	shalt  }
0x5f: {  	_ =	shalt  }
0x60: {  	_ =	shalt  }
0x61: {  	_ =	shalt  }
0x62: {  	_ =	shalt  }
0x63: {  	_ =	shalt  }
0x64: {  	_ =	shalt  }
0x65: {  	_ =	shalt  }
0x66: {  	_ =	shalt  }
0x67: {  	_ =	shalt  }
0x68: {  	_ =	shalt  }
0x69: {  	_ =	shalt  }
0x6a: {  	_ =	shalt  }
0x6b: {  	_ =	shalt  }
0x6c: {  	_ =	shalt  }
0x6d: {  	_ =	shalt  }
0x6e: {  	_ =	shalt  }
0x6f: {  	_ =	shalt  }
0x70: {  	_ =	shalt  }
0x71: {  	_ =	shalt  }
0x72: {  	_ =	shalt  }
0x73: {  	_ =	shalt  }
0x74: {  	_ =	shalt  }
0x75: {  	_ =	shalt  }
0x76: {  	_ =	shalt  }
0x77: {  	_ =	shalt  }
0x78: {  	_ =	shalt  }
0x79: {  	_ =	shalt  }
0x7a: {  	_ =	shalt  }
0x7b: {  	_ =	shalt  }
0x7c: {  	_ =	shalt  }
0x7d: {  	_ =	shalt  }
0x7e: {  	_ =	shalt  }
0x7f: {  	_ =	shalt  }
0x80: {  	_ =	shalt  }
0x81: {  	_ =	shalt  }
0x82: {  	_ =	shalt  }
0x83: {  	_ =	shalt  }
0x84: {  	_ =	shalt  }
0x85: {  	_ =	shalt  }
0x86: {  	_ =	shalt  }
0x87: {  	_ =	shalt  }
.Lfunc_end0:
.L_simem_size_0:
called_computation_lowered:
.L_overlay_start_0:
0x88: {  	s2 =	sld [smem:$0x3FD9]  }
0x89: {  	s3 =	sld [smem:$0x3FFE];
	_ =	sdelay $0x1  }
0x8a: {  	s1 =	srdreg.scid  }
0x8b: {  	s0 =	sand.u32 $0x1, s1  }
0x8c: {  	s14 =	sshll.u32 s0, $0xA;
	s2 =	sadd.s32 s3, s2  }
0x8d: {  	s2 =	sadd.s32 s2, s14  }
0x8e: {  	[smem:$0x3FBC] =	sst s2  }
0x8f: {  	_ = 	snop  }
0x90: {  	s2 =	sld [smem:$0x3FD0];
	_ =	sdelay $0x2  }
0x91: {  	s15 =	simm.s32 $0xA;
	s4 =	simm.s32 $0x10  }
0x92: {  	[smem:s4], [sflag:s15] =	dma.local [hbm:s2], $0x1  }
0x93: {  	_ =	swait.eq [sflag:s15], $0x1  }
0x94: {  	[sflag:s15] =	ssyncset.done $0x0  }
0x95: {  	[sflag:s15] =	ssyncadd.s32 $0xFFFFFFFF  }
0x96: {  	s16 =	sld [smem:$0x10];
	(tm) =	ssettm $0x1  }
0x97: {  	s17 =	sld [smem:$0x3FFB];
	_ =	sdelay $0x3  }
0x98: {  	_ =	strace s17  }
0x99: {  	s3 =	sld [smem:$0x3FFC];
	_ =	sdelay $0x3  }
0x9a: {  	_ =	strace s3  }
0x9b: {  	s3 =	sld [smem:$0x3FFD];
	_ =	sdelay $0x3  }
0x9c: {  	_ =	strace s3  }
0x9d: {  	_ =	strace $0x8FFFFFFF  }
0x9e: {  	s18 =	sld [smem:$0x3FDB];
	_ =	sdelay $0x1  }
0x9f: {  	s19 =	simm.s32 $_scs_section_size  }
0xa0: {  	s5 =	simm.s32 $_size__tile_overlayer_lowered;
	s6 =	simm.s32 $_tile_overlayer_lowered  }
0xa1: {  	s22 =	simm.s32 $0x1BFF;
	s21 =	sshll.u32 s6, $0x1;
	s3 =	sadd.s32 s19, s18  }
0xa2: {  	s7 =	simm.s32 $0x0;
	s20 =	sshll.u32 s5, $0x1;
	s5 =	sadd.s32 s21, s3  }
0xa3: {  	[timem:s7], [sflag:s22] =	dma.local [hbm:s5], s20  }
0xa4: {  	_ =	swait.ge [sflag:s22], s20  }
0xa5: {  	s4 =	ssub.s32 $0x0, s20;
	[sflag:s22] =	ssyncset.done $0x0  }
0xa6: {  	[sflag:s22] =	ssyncadd.s32 s4;
	_ =	sdelay $0x1  }
0xa7: {  	s23 =	simm.s32 $0x1B8B  }
0xa8: {  	_ =	swait.ge [sflag:s23], $0x1  }
0xa9: {  	[sflag:s23] =	ssyncset.done $0x0  }
0xaa: {  	s25 =	simm.s32 $0x1B8E;
	s24 =	sld [smem:$0x3FFE];
	[sflag:s23] =	ssyncadd.s32 $0xFFFFFFFF  }
0xab: {  	s26 =	simm.s32 $execute0_lowered;
	[smem:$0x3FD2] =	sst s25  }
0xac: {  	s5 =	sshll.u32 s26, $0x1;
	_ =	strace $0x80000046;
	[dreg:$0x1] =	wrdreg $0xFFFFFFFF  }
0xad: {  	s28 =	simm.s32 $_size_execute0_lowered;
	s3 =	sadd.s32 s3, s5;
	[dreg:$0x0] =	wrdreg $0x0  }
0xae: {  	s5 =	sshll.u32 s28, $0x1;
	[dreg:$0x2] =	wrdreg s3  }
0xaf: {  	[dreg:$0x3] =	wrdreg s5  }
0xb0: {  	[dreg:$0x4] =	wrdreg $0xC0  }
0xb1: {  	_ =	task [dreg:s7], $0x5FFFF  }
0xb2: {  	[dreg:$0x1] =	wrdreg $0xFFFFFFFF  }
0xb3: {  	[dreg:$0x0] =	wrdreg $0x60  }
0xb4: {  	[dreg:$0x2] =	wrdreg s16  }
0xb5: {  	[dreg:$0x3] =	wrdreg s24  }
0xb6: {  	[dreg:$0x4] =	wrdreg $0x68000  }
0xb7: {  	[dreg:$0x5] =	wrdreg $0x9  }
0xb8: {  	_ =	task.clear_ibuf [dreg:s7], $0x6FFFF;
	_ =	strace $0x90000046  }
0xb9: {  	s29 =	simm.s32 $0x9;
	_ =	strace $0x80000048  }
0xba: {  	_ =	swait.ge [sflag:s29], $0x1  }
0xbb: {  	[sflag:s29] =	ssyncadd.s32 $0xFFFFFFFF  }
0xbc: {  	_ =	strace $0x90000048  }
0xbd: {  	_ =	sfence  }
0xbe: {  	s30 =	sld [smem:$0x0];
	_ =	sdelay $0x2  }
0xbf: {  	s31 =	sshll.u32 s1, $0xD;
	s1 =	sshrl.u32 s1, $0x2  }
0xc0: {  	s3 =	sand.u32 $0x4000, s31;
	s1 =	sadd.s32 s1, s30  }
0xc1: {  	s0 =	sor.u32 s3, s0;
	s1 =	sshll.u32 s1, $0x11  }
0xc2: {  	s0 =	sor.u32 s1, s0  }
0xc3: {  	s0 =	sadd.s32 $0x8F2B, s0  }
0xc4: {  	[sflag:s0] =	ssyncadd.remote.s32 $0x1  }
0xc5: {  	_ =	sfence.sel $0xFFFF  }
0xc6: {  	[dreg:$0x0] =	wrdreg $0xFFFFFFFF;
	(pc) =	sbr.abs _section_cstart, $3  }
0xc7: {  	[dreg:$0x1] =	wrdreg $0xFFFFFFFF  }
0xc8: {  	_ =	task.clear_ibuf [dreg:s7], $0x2FFFF;
	_ =	strace $0x9FFFFFFF  }
0xc9: {  	(tm) =	ssettm $0x7FFFFFFF  }
tec
execute0_lowered:
.L_overlay_start_1:
0x0: {  	(tag) =	ssettag $0x1  }
0x1: {  	s7 =	rddreg [dreg:$0x0]  }
0x2: {  	s5 =	rddreg [dreg:$0x1]  }
0x3: {  	s2 =	rddreg [dreg:$0x2]  }
0x4: {  	s0 =	rddreg [dreg:$0x3]  }
0x5: {  	s1 =	stileid.u32;
	s4 =	srdreg.scid  }
0x6: {  	s3 =	simm.s32 $0x0;
	s13 =	simm.s32 $0x80;
	s14 =	simm.s32 $0x0  }
0x7: {  	s6 =	smul.u32 $0x2800, s1;
	s8 =	sand.u32 $0x1, s4;
	[smem:$0x7FF] =	sst s3  }
0x8: {  	s4 =	sadd.s32 $0x2C000, s5;
	s11 =	smul.u32 $0x50000, s1;
	s31 =	sshll.u32 s1, $0x6  }
0x9: {  	s9 =	smul.u32 $0x28000, s8;
	_ =	strace $0x80000047;
	s26 =	ssub.s32 $0x2, s8  }
0xa: {  	s8 =	sshll.u32 s8, $0x4;
	s10 =	sadd.s32 s6, s5;
	s28 =	sshrl.u32 s26, $0x1  }
0xb: {  	s29 =	sor.u32 s1, s8;
	s30 =	sshrl.u32 s11, $0x2;
	s6 =	sadd.s32 s6, s9  }
0xc: {  	s9 =	ssub.s32 s26, s28;
	s8 =	smul.u32 $0x500, s29;
	s11 =	sadd.s32 s30, s2  }
0xd: {  	s12 =	sadd.s32 s6, s5;
	s5 =	sadd.s32 $0x4000, s10;
	s6 =	sor.u32 $0x1C01, s31  }
0xe: {  	s9 =	smax.u32 s9, $0x1;
	s10 =	sshrl.u32 s11, $0x3;
	s11 =	simm.s32 $0x1  }
0xf: {  	s7 =	sadd.s32 s7, s8;
	s8 =	sadd.s32 $0x2C800, s12;
	s12 =	simm.s32 $0x2800  }
.LBB2_1:
0x10: {  	[spmem:s10], [sflag:s6] =	dma.local [hbm:s5], $0x2800  }
0x11: {  	_ =	swait.ge [sflag:s11], $0x2800  }
0x12: {  	[sflag:s11] =	ssyncset.done $0x0  }
0x13: {  	[sflag:s11] =	ssyncadd.s32 $0xFFFFD800  }
0x14: {  	[tilespmem:s12], [sflag:$0x1] =	stream.linear.gather [hbm4b:s4+s3], $0x4000, $0x38;
	[tilespmem:$0x1A800] =	vst v63  }
0x15: {  	_ =	swait.ge [sflag:s11], $0x4000  }
0x16: {  	[sflag:s11] =	ssyncset.done $0x0  }
0x17: {  	[sflag:s11] =	ssyncadd.s32 $0xFFFFC000  }
0x18: {  	[tilespmem:s3], [sflag:$0x1] =	stream.linear.gather [hbm4b:s7+s3], $0x2800, $0x38;
	[tilespmem:$0x1A800] =	vst v63  }
0x19: {  	_ =	swait.ge [sflag:s11], $0x2800  }
0x1a: {  	[sflag:s11] =	ssyncset.done $0x0  }
0x1b: {  	[sflag:s11] =	ssyncadd.s32 $0xFFFFD800  }
0x1c: {  	s15 =	simm.s32 $0x0;
	[bflag:$0x0] =	sbarrier.arrive $0xFFFF  }
0x1d: {  	[spmem:s2] =	stream.indirect.scatter.add.f32 [tilespmem:s12], [sflag:$0x1], $0x80, s15, s13, $0xb8;
	[tilespmem:$0x1A800] =	vst v63  }
0x1e: {  	_ =	swait.ge [sflag:s11], $0x4000  }
0x1f: {  	[sflag:s11] =	ssyncset.done $0x0  }
0x20: {  	s24 =	simm.s32 $0x80;
	[sflag:s11] =	ssyncadd.s32 $0xFFFFC000  }
0x21: {  	[spmem:s2] =	stream.indirect.scatter.add.f32 [tilespmem:s12], [sflag:$0x1], $0x80, s24, s13, $0xb8;
	[tilespmem:$0x1A800] =	vst v63  }
0x22: {  	_ =	swait.ge [sflag:s11], $0x4000  }
0x23: {  	[sflag:s11] =	ssyncset.done $0x0  }
0x24: {  	s25 =	simm.s32 $0x100;
	[sflag:s11] =	ssyncadd.s32 $0xFFFFC000  }
0x25: {  	[spmem:s2] =	stream.indirect.scatter.add.f32 [tilespmem:s12], [sflag:$0x1], $0x80, s25, s13, $0xb8;
	[tilespmem:$0x1A800] =	vst v63  }
0x26: {  	_ =	swait.ge [sflag:s11], $0x4000  }
0x27: {  	[sflag:s11] =	ssyncset.done $0x0  }
0x28: {  	s26 =	simm.s32 $0x180;
	[sflag:s11] =	ssyncadd.s32 $0xFFFFC000  }
0x29: {  	[spmem:s2] =	stream.indirect.scatter.add.f32 [tilespmem:s12], [sflag:$0x1], $0x80, s26, s13, $0xb8;
	[tilespmem:$0x1A800] =	vst v63  }
0x2a: {  	_ =	swait.ge [sflag:s11], $0x4000  }
0x2b: {  	[sflag:s11] =	ssyncset.done $0x0  }
0x2c: {  	s28 =	simm.s32 $0x200;
	[sflag:s11] =	ssyncadd.s32 $0xFFFFC000  }
0x2d: {  	[spmem:s2] =	stream.indirect.scatter.add.f32 [tilespmem:s12], [sflag:$0x1], $0x80, s28, s13, $0xb8;
	[tilespmem:$0x1A800] =	vst v63  }
0x2e: {  	_ =	swait.ge [sflag:s11], $0x4000  }
0x2f: {  	[sflag:s11] =	ssyncset.done $0x0  }
0x30: {  	s29 =	simm.s32 $0x280;
	[sflag:s11] =	ssyncadd.s32 $0xFFFFC000  }
0x31: {  	[spmem:s2] =	stream.indirect.scatter.add.f32 [tilespmem:s12], [sflag:$0x1], $0x80, s29, s13, $0xb8;
	[tilespmem:$0x1A800] =	vst v63  }
0x32: {  	_ =	swait.ge [sflag:s11], $0x4000  }
0x33: {  	[sflag:s11] =	ssyncset.done $0x0  }
0x34: {  	s30 =	simm.s32 $0x300;
	[sflag:s11] =	ssyncadd.s32 $0xFFFFC000  }
0x35: {  	[spmem:s2] =	stream.indirect.scatter.add.f32 [tilespmem:s12], [sflag:$0x1], $0x80, s30, s13, $0xb8;
	[tilespmem:$0x1A800] =	vst v63  }
0x36: {  	_ =	swait.ge [sflag:s11], $0x4000  }
0x37: {  	[sflag:s11] =	ssyncset.done $0x0  }
0x38: {  	s31 =	simm.s32 $0x380;
	[sflag:s11] =	ssyncadd.s32 $0xFFFFC000  }
0x39: {  	[spmem:s2] =	stream.indirect.scatter.add.f32 [tilespmem:s12], [sflag:$0x1], $0x80, s31, s13, $0xb8;
	[tilespmem:$0x1A800] =	vst v63  }
0x3a: {  	_ =	swait.ge [sflag:s11], $0x4000  }
0x3b: {  	s18 =	simm.s32 $0x2000;
	s15 =	simm.s32 $0x1000;
	[sflag:s11] =	ssyncset.done $0x0  }
.LBB2_2:
0x3c: {  	s17 =	sshra.s32 s15, $0x2  }
0x3d: {  	[sflag:s11] =	ssyncadd.s32 $0xFFFFC000;
	s15 =	smov.u32 s18;
	s16 =	sadd.s32 $0x1000, s18  }
0x3e: {  	[spmem:s2] =	stream.indirect.scatter.add.f32 [tilespmem:s12], [sflag:$0x1], $0x80, s17, s13, $0xb8;
	[tilespmem:$0x1A800] =	vst v63  }
0x3f: {  	p0 =	sne.s32 s18, $0x9000;
	_ =	swait.ge [sflag:s11], $0x4000  }
0x40: {  	[sflag:s11] =	ssyncset.done $0x0  }
0x41: {  	s18 =	sadd.s32 $0x80, s17;
	[sflag:s11] =	ssyncadd.s32 $0xFFFFC000  }
0x42: {  	[spmem:s2] =	stream.indirect.scatter.add.f32 [tilespmem:s12], [sflag:$0x1], $0x80, s18, s13, $0xb8;
	[tilespmem:$0x1A800] =	vst v63  }
0x43: {  	_ =	swait.ge [sflag:s11], $0x4000  }
0x44: {  	[sflag:s11] =	ssyncset.done $0x0  }
0x45: {  	s18 =	sadd.s32 $0x100, s17;
	[sflag:s11] =	ssyncadd.s32 $0xFFFFC000  }
0x46: {  	[spmem:s2] =	stream.indirect.scatter.add.f32 [tilespmem:s12], [sflag:$0x1], $0x80, s18, s13, $0xb8;
	[tilespmem:$0x1A800] =	vst v63  }
0x47: {  	_ =	swait.ge [sflag:s11], $0x4000  }
0x48: {  	[sflag:s11] =	ssyncset.done $0x0  }
0x49: {  	s18 =	sadd.s32 $0x180, s17;
	[sflag:s11] =	ssyncadd.s32 $0xFFFFC000  }
0x4a: {  	[spmem:s2] =	stream.indirect.scatter.add.f32 [tilespmem:s12], [sflag:$0x1], $0x80, s18, s13, $0xb8;
	[tilespmem:$0x1A800] =	vst v63  }
0x4b: {  	_ =	swait.ge [sflag:s11], $0x4000  }
0x4c: {  	[sflag:s11] =	ssyncset.done $0x0  }
0x4d: {  	s18 =	sadd.s32 $0x200, s17;
	[sflag:s11] =	ssyncadd.s32 $0xFFFFC000  }
0x4e: {  	[spmem:s2] =	stream.indirect.scatter.add.f32 [tilespmem:s12], [sflag:$0x1], $0x80, s18, s13, $0xb8;
	[tilespmem:$0x1A800] =	vst v63  }
0x4f: {  	_ =	swait.ge [sflag:s11], $0x4000  }
0x50: {  	[sflag:s11] =	ssyncset.done $0x0  }
0x51: {  	s18 =	sadd.s32 $0x280, s17;
	[sflag:s11] =	ssyncadd.s32 $0xFFFFC000  }
0x52: {  	[spmem:s2] =	stream.indirect.scatter.add.f32 [tilespmem:s12], [sflag:$0x1], $0x80, s18, s13, $0xb8;
	[tilespmem:$0x1A800] =	vst v63  }
0x53: {  	_ =	swait.ge [sflag:s11], $0x4000  }
0x54: {  	[sflag:s11] =	ssyncset.done $0x0  }
0x55: {  	s18 =	sadd.s32 $0x300, s17;
	[sflag:s11] =	ssyncadd.s32 $0xFFFFC000  }
0x56: {  	[spmem:s2] =	stream.indirect.scatter.add.f32 [tilespmem:s12], [sflag:$0x1], $0x80, s18, s13, $0xb8;
	[tilespmem:$0x1A800] =	vst v63  }
0x57: {  	_ =	swait.ge [sflag:s11], $0x4000  }
.Ltmp0:
0x58: {  	[sflag:s11] =	ssyncset.done $0x0;
	(pc) =	sbr.rel @p0 .LBB2_2-.Ltmp0, $4  }
0x59: {  	s17 =	sadd.s32 $0x380, s17;
	[sflag:s11] =	ssyncadd.s32 $0xFFFFC000  }
0x5a: {  	[spmem:s2] =	stream.indirect.scatter.add.f32 [tilespmem:s12], [sflag:$0x1], $0x80, s17, s13, $0xb8;
	[tilespmem:$0x1A800] =	vst v63  }
0x5b: {  	_ =	swait.ge [sflag:s11], $0x4000  }
0x5c: {  	s18 =	smov.u32 s16;
	[sflag:s11] =	ssyncset.done $0x0  }
0x5d: {  	s15 =	sshra.s32 s15, $0x2;
	[sflag:s11] =	ssyncadd.s32 $0xFFFFC000  }
0x5e: {  	[spmem:s2] =	stream.indirect.scatter.add.f32 [tilespmem:s12], [sflag:$0x1], $0x80, s15, s13, $0xb8;
	[tilespmem:$0x1A800] =	vst v63  }
0x5f: {  	_ =	swait.ge [sflag:s11], $0x4000  }
0x60: {  	[sflag:s11] =	ssyncset.done $0x0  }
0x61: {  	s16 =	sadd.s32 $0x80, s15;
	[sflag:s11] =	ssyncadd.s32 $0xFFFFC000  }
0x62: {  	[spmem:s2] =	stream.indirect.scatter.add.f32 [tilespmem:s12], [sflag:$0x1], $0x80, s16, s13, $0xb8;
	[tilespmem:$0x1A800] =	vst v63  }
0x63: {  	_ =	swait.ge [sflag:s11], $0x4000  }
0x64: {  	[sflag:s11] =	ssyncset.done $0x0  }
0x65: {  	s26 =	sadd.s32 $0x100, s15;
	[sflag:s11] =	ssyncadd.s32 $0xFFFFC000  }
0x66: {  	[spmem:s2] =	stream.indirect.scatter.add.f32 [tilespmem:s12], [sflag:$0x1], $0x80, s26, s13, $0xb8;
	[tilespmem:$0x1A800] =	vst v63  }
0x67: {  	_ =	swait.ge [sflag:s11], $0x4000  }
0x68: {  	[sflag:s11] =	ssyncset.done $0x0  }
0x69: {  	s28 =	sadd.s32 $0x180, s15;
	[sflag:s11] =	ssyncadd.s32 $0xFFFFC000  }
0x6a: {  	[spmem:s2] =	stream.indirect.scatter.add.f32 [tilespmem:s12], [sflag:$0x1], $0x80, s28, s13, $0xb8;
	[tilespmem:$0x1A800] =	vst v63  }
0x6b: {  	_ =	swait.ge [sflag:s11], $0x4000  }
0x6c: {  	[sflag:s11] =	ssyncset.done $0x0  }
0x6d: {  	s29 =	sadd.s32 $0x200, s15;
	[sflag:s11] =	ssyncadd.s32 $0xFFFFC000  }
0x6e: {  	[spmem:s2] =	stream.indirect.scatter.add.f32 [tilespmem:s12], [sflag:$0x1], $0x80, s29, s13, $0xb8;
	[tilespmem:$0x1A800] =	vst v63  }
0x6f: {  	_ =	swait.ge [sflag:s11], $0x4000  }
0x70: {  	[sflag:s11] =	ssyncset.done $0x0  }
0x71: {  	s30 =	sadd.s32 $0x280, s15;
	[sflag:s11] =	ssyncadd.s32 $0xFFFFC000  }
0x72: {  	[spmem:s2] =	stream.indirect.scatter.add.f32 [tilespmem:s12], [sflag:$0x1], $0x80, s30, s13, $0xb8;
	[tilespmem:$0x1A800] =	vst v63  }
0x73: {  	_ =	swait.ge [sflag:s11], $0x4000  }
0x74: {  	[sflag:s11] =	ssyncset.done $0x0  }
0x75: {  	s31 =	sadd.s32 $0x300, s15;
	[sflag:s11] =	ssyncadd.s32 $0xFFFFC000  }
0x76: {  	[spmem:s2] =	stream.indirect.scatter.add.f32 [tilespmem:s12], [sflag:$0x1], $0x80, s31, s13, $0xb8;
	[tilespmem:$0x1A800] =	vst v63  }
0x77: {  	_ =	swait.ge [sflag:s11], $0x4000  }
0x78: {  	[sflag:s11] =	ssyncset.done $0x0  }
0x79: {  	s15 =	sadd.s32 $0x380, s15;
	[sflag:s11] =	ssyncadd.s32 $0xFFFFC000  }
0x7a: {  	[spmem:s2] =	stream.indirect.scatter.add.f32 [tilespmem:s12], [sflag:$0x1], $0x80, s15, s13, $0xb8;
	[tilespmem:$0x1A800] =	vst v63  }
0x7b: {  	_ =	swait.ge [sflag:s11], $0x4000  }
0x7c: {  	s14 =	sadd.s32 $0x1, s14;
	[sflag:s11] =	ssyncset.done $0x0  }
0x7d: {  	p0 =	sne.s32 s14, s9;
	[sflag:s11] =	ssyncadd.s32 $0xFFFFC000  }
.Ltmp1:
0x7e: {  	[bflag:$0x0] =	sbarrier.arrive $0xFFFF;
	(pc) =	sbr.rel @p0 .LBB2_1-.Ltmp1, $4  }
0x7f: {  	[hbm:s8], [sflag:s6] =	dma.local [spmem:s10], $0x2800  }
0x80: {  	_ =	swait.ge [sflag:s11], $0x2800  }
0x81: {  	[sflag:s11] =	ssyncset.done $0x0  }
0x82: {  	[sflag:s11] =	ssyncadd.s32 $0xFFFFD800  }
0x83: {  	_ =	sfence.sel $0x180000  }
0x84: {  	[bflag:$0x0] =	sbarrier.arrive $0xFFFF  }
0x85: {  	p0 =	sne.s32 s1, $0x0;
	_ =	strace $0x90000047  }
0x86: {  	s0 =	sadd.s32 @!p0 $0x100000, s0;
	[bflag:$0x2] =	sbarrier.arrive $0xFFFF  }
0x87: {  	[sflag:s0] =	ssyncadd.tile.s32 @!p0 $0x1;
	_ =	shalt  }
.Lfunc_end2:
_tile_overlayer_lowered:
.L_overlay_start_2:
0x88: {  	(tag) =	ssettag $0x2  }
0x89: {  	s0 =	rddreg [dreg:$0x0];
	s2 =	stileid.u32  }
0x8a: {  	s1 =	rddreg [dreg:$0x1];
	p0 =	sne.s32 s2, $0x0  }
0x8b: {  	s3 =	rddreg [dreg:$0x2];
	[bflag:$0x3] =	sbarrier.arrive $0xFFFF;
	s2 =	simm.s32 @!p0 $0x1C01  }
0x8c: {  	[timem:s3], [sflag:s2] =	dma.local @!p0 [hbm:s0], s1  }
0x8d: {  	s0 =	simm.s32 @!p0 $0x1  }
0x8e: {  	_ =	swait.ge @!p0 [sflag:s0], s1  }
0x8f: {  	s1 =	ssub.s32 @!p0 $0x0, s1;
	[sflag:s0] =	ssyncset.done @!p0 $0x0  }
0x90: {  	[sflag:s0] =	ssyncadd.s32 @!p0 s1  }
0x91: {  	[bflag:$0x3] =	sbarrier.arrive $0xFFFF  }
0x92: {  	_ =	shalt  }

// kernel: kernel.13.cloned.1.call-start
scs
__scs_entry_jumppad:
0x0: {  	(pc) =	sbr.rel $0x88, $3  }
0x1: {  	(tag) =	ssettag $0x0;
	lr =	simm.s32 $0x1  }
0x2: {  	[smem:$0x3F95] =	sst lr;
	_ =	strace $0xD0000000  }
0x3: {  	_ = 	snop  }
0x4: {  	_ = 	snop  }
0x5: {  	_ = 	snop  }
0x6: {  	_ = 	snop  }
0x7: {  	_ = 	snop  }
__scs_overlays_trampoline_lowered:
0x8: {  	[smem:$0x3FA4] =	sst s0  }
0x9: {  	[smem:$0x3FA5] =	sst s1  }
0xa: {  	[smem:$0x3FA6] =	sst s2  }
0xb: {  	[smem:$0x3FA7] =	sst s3  }
0xc: {  	[smem:$0x3FA8] =	sst s4  }
0xd: {  	[smem:$0x3FA9] =	sst s5  }
0xe: {  	[smem:$0x3FAA] =	sst s6  }
0xf: {  	[smem:$0x3FAB] =	sst s7  }
0x10: {  	[smem:$0x3FAC] =	sst s8  }
0x11: {  	[smem:$0x3FAD] =	sst s9;
	s0 =	simm.s32 @!p0 $0x0  }
0x12: {  	s1 =	sld [smem:$0x3F93];
	s0 =	simm.s32 @p0 $0x1  }
0x13: {  	[smem:$0x3FAE] =	sst s0;
	s0 =	simm.s32 @!p1 $0x0  }
0x14: {  	s2 =	sld [smem:$0x3F92];
	s0 =	simm.s32 @p1 $0x1  }
0x15: {  	[smem:$0x3FAF] =	sst s0;
	s0 =	simm.s32 @!p2 $0x0  }
0x16: {  	s3 =	sld [smem:$0x3FDB];
	s0 =	simm.s32 @p2 $0x1  }
0x17: {  	s4 =	simm.s32 $0x1BF5;
	[smem:$0x3FB1] =	sst s0  }
0x18: {  	s0 =	sld [smem:$0x3F94];
	_ =	swait.ge [sflag:s4], $0x0  }
0x19: {  	s7 =	sld [smem:$0x3F95]  }
0x1a: {  	s8 =	sadd.s32 $0xFFFFE003, lr  }
0x1b: {  	s9 =	sadd.s32 $0xFFFFFEF7, lr;
	s5 =	simm.s32 $0xFFFFFFFF;
	p2 =	slt.u32 s8, $0xFFFFF086  }
0x1c: {  	p1 =	slt.u32 s9, $0xF7A;
	s5 =	simm.s32 @!p2 $0x0  }
0x1d: {  	s5 =	simm.s32 @p1 $0x1;
	p0 =	seq.s32 s7, s2  }
0x1e: {  	s7 =	smul.u32 @!p0 $0xF7A, s2;
	p2 =	seq.s32 @!p0 s5, $0x0  }
0x1f: {  	s9 =	smul.u32 $0xF7A, s1;
	s8 =	simm.s32 @!p0 $0x1BF5;
	p2 =	por !p2, p0  }
0x20: {  	[sflag:s8] =	ssyncset.s32 @!p0 $0xFFFFF086;
	s6 =	sadd.s32 @!p0 s3, s7;
	s7 =	simm.s32 @!p0 $0x108  }
0x21: {  	s3 =	sadd.s32 s3, s9;
	s6 =	sadd.s32 @!p0 $0x88, s6;
	s7 =	simm.s32 @p2 $0x1082  }
0x22: {  	[simem:s7], [sflag:s8] =	dma.local @!p0 [hbm:s6], $0xF7A  }
0x23: {  	s9 =	sor.u32 $0xD0000000, s2;
	s6 =	simm.s32 $0x108;
	_ =	swait.ge @!p0 [sflag:s8], $0x0  }
0x24: {  	s3 =	sadd.s32 $0x88, s3;
	s6 =	simm.s32 @!p1 $0x1082;
	[sflag:s4] =	ssyncset.s32 $0xFFFFF086  }
0x25: {  	[simem:s6], [sflag:s4] =	dma.local [hbm:s3], $0xF7A  }
0x26: {  	[smem:$0x3F95] =	sst s1;
	(tag) =	ssettag s2;
	_ =	strace s9  }
0x27: {  	s1 =	sld [smem:$0x3FA5]  }
0x28: {  	s2 =	sld [smem:$0x3FA6]  }
0x29: {  	s4 =	sld [smem:$0x3FA8]  }
0x2a: {  	p0 =	seq.s32 s5, $0x0;
	s5 =	sld [smem:$0x3FA9]  }
0x2b: {  	s6 =	sld [smem:$0x3FAA]  }
0x2c: {  	s7 =	sld [smem:$0x3FAB]  }
0x2d: {  	s3 =	simm.s32 $0x108;
	s8 =	sld [smem:$0x3FAC]  }
0x2e: {  	s3 =	simm.s32 @!p0 $0x1082;
	s9 =	sld [smem:$0x3FAD]  }
0x2f: {  	lr =	sadd.s32 s0, s3;
	s0 =	sld [smem:$0x3FA4]  }
0x30: {  	s3 =	sld [smem:$0x3FA7]  }
0x31: {  	[smem:$0x3FB0] =	sst s10  }
0x32: {  	s10 =	sld [smem:$0x3FAE];
	_ =	sdelay $0x3  }
0x33: {  	p0 =	seq.s32 s10, $0x1;
	s10 =	sld [smem:$0x3FB0];
	_ =	sdelay $0x3  }
0x34: {  	[smem:$0x3FB0] =	sst s10  }
0x35: {  	s10 =	sld [smem:$0x3FAF];
	_ =	sdelay $0x3  }
0x36: {  	p1 =	seq.s32 s10, $0x1;
	s10 =	sld [smem:$0x3FB0];
	_ =	sdelay $0x3  }
0x37: {  	[smem:$0x3FB0] =	sst s10  }
0x38: {  	s10 =	sld [smem:$0x3FB1]  }
0x39: {  	_ = 	snop;
	(pc) =	sbr.ind lr, $3  }
0x3a: {  	_ = 	snop  }
0x3b: {  	_ = 	snop  }
0x3c: {  	p2 =	seq.s32 s10, $0x1;
	s10 =	sld [smem:$0x3FB0]  }
0x3d: {  	_ =	shalt  }
0x3e: {  	_ =	shalt  }
0x3f: {  	_ =	shalt  }
0x40: {  	_ =	shalt  }
0x41: {  	_ =	shalt  }
0x42: {  	_ =	shalt  }
0x43: {  	_ =	shalt  }
0x44: {  	_ =	shalt  }
0x45: {  	_ =	shalt  }
0x46: {  	_ =	shalt  }
0x47: {  	_ =	shalt  }
0x48: {  	_ =	shalt  }
0x49: {  	_ =	shalt  }
0x4a: {  	_ =	shalt  }
0x4b: {  	_ =	shalt  }
0x4c: {  	_ =	shalt  }
0x4d: {  	_ =	shalt  }
0x4e: {  	_ =	shalt  }
0x4f: {  	_ =	shalt  }
0x50: {  	_ =	shalt  }
0x51: {  	_ =	shalt  }
0x52: {  	_ =	shalt  }
0x53: {  	_ =	shalt  }
0x54: {  	_ =	shalt  }
0x55: {  	_ =	shalt  }
0x56: {  	_ =	shalt  }
0x57: {  	_ =	shalt  }
0x58: {  	_ =	shalt  }
0x59: {  	_ =	shalt  }
0x5a: {  	_ =	shalt  }
0x5b: {  	_ =	shalt  }
0x5c: {  	_ =	shalt  }
0x5d: {  	_ =	shalt  }
0x5e: {  	_ =	shalt  }
0x5f: {  	_ =	shalt  }
0x60: {  	_ =	shalt  }
0x61: {  	_ =	shalt  }
0x62: {  	_ =	shalt  }
0x63: {  	_ =	shalt  }
0x64: {  	_ =	shalt  }
0x65: {  	_ =	shalt  }
0x66: {  	_ =	shalt  }
0x67: {  	_ =	shalt  }
0x68: {  	_ =	shalt  }
0x69: {  	_ =	shalt  }
0x6a: {  	_ =	shalt  }
0x6b: {  	_ =	shalt  }
0x6c: {  	_ =	shalt  }
0x6d: {  	_ =	shalt  }
0x6e: {  	_ =	shalt  }
0x6f: {  	_ =	shalt  }
0x70: {  	_ =	shalt  }
0x71: {  	_ =	shalt  }
0x72: {  	_ =	shalt  }
0x73: {  	_ =	shalt  }
0x74: {  	_ =	shalt  }
0x75: {  	_ =	shalt  }
0x76: {  	_ =	shalt  }
0x77: {  	_ =	shalt  }
0x78: {  	_ =	shalt  }
0x79: {  	_ =	shalt  }
0x7a: {  	_ =	shalt  }
0x7b: {  	_ =	shalt  }
0x7c: {  	_ =	shalt  }
0x7d: {  	_ =	shalt  }
0x7e: {  	_ =	shalt  }
0x7f: {  	_ =	shalt  }
0x80: {  	_ =	shalt  }
0x81: {  	_ =	shalt  }
0x82: {  	_ =	shalt  }
0x83: {  	_ =	shalt  }
0x84: {  	_ =	shalt  }
0x85: {  	_ =	shalt  }
0x86: {  	_ =	shalt  }
0x87: {  	_ =	shalt  }
.Lfunc_end0:
.L_simem_size_0:
called_computation.1_lowered:
.L_overlay_start_0:
0x88: {  	s2 =	sld [smem:$0x3FD9]  }
0x89: {  	s3 =	sld [smem:$0x3FFE];
	_ =	sdelay $0x1  }
0x8a: {  	s1 =	srdreg.scid  }
0x8b: {  	s0 =	sand.u32 $0x1, s1  }
0x8c: {  	s14 =	sshll.u32 s0, $0xA;
	s2 =	sadd.s32 s3, s2  }
0x8d: {  	s2 =	sadd.s32 s2, s14  }
0x8e: {  	[smem:$0x3FBC] =	sst s2  }
0x8f: {  	_ = 	snop  }
0x90: {  	s2 =	sld [smem:$0x3FD0];
	_ =	sdelay $0x2  }
0x91: {  	s15 =	simm.s32 $0xA;
	s4 =	simm.s32 $0x10  }
0x92: {  	[smem:s4], [sflag:s15] =	dma.local [hbm:s2], $0x1  }
0x93: {  	_ =	swait.eq [sflag:s15], $0x1  }
0x94: {  	[sflag:s15] =	ssyncset.done $0x0  }
0x95: {  	s16 =	sld [smem:$0x10];
	[sflag:s15] =	ssyncadd.s32 $0xFFFFFFFF  }
0x96: {  	s17 =	sld [smem:$0x11];
	(tm) =	ssettm $0x1  }
0x97: {  	s18 =	sld [smem:$0x3FFB];
	_ =	sdelay $0x3  }
0x98: {  	_ =	strace s18  }
0x99: {  	s4 =	sld [smem:$0x3FFC];
	_ =	sdelay $0x3  }
0x9a: {  	_ =	strace s4  }
0x9b: {  	s4 =	sld [smem:$0x3FFD];
	_ =	sdelay $0x3  }
0x9c: {  	_ =	strace s4  }
0x9d: {  	_ =	strace $0x8FFFFFFF  }
0x9e: {  	s19 =	sld [smem:$0x3FDB];
	_ =	sdelay $0x1  }
0x9f: {  	s5 =	simm.s32 $_scs_section_size  }
0xa0: {  	s6 =	simm.s32 $_size__tile_overlayer_lowered;
	s7 =	simm.s32 $_tile_overlayer_lowered  }
0xa1: {  	s22 =	simm.s32 $0x1BFF;
	s21 =	sshll.u32 s7, $0x1;
	s4 =	sadd.s32 s5, s19  }
0xa2: {  	s8 =	simm.s32 $0x0;
	s20 =	sshll.u32 s6, $0x1;
	s6 =	sadd.s32 s21, s4  }
0xa3: {  	[timem:s8], [sflag:s22] =	dma.local [hbm:s6], s20  }
0xa4: {  	_ =	swait.ge [sflag:s22], s20  }
0xa5: {  	s5 =	ssub.s32 $0x0, s20;
	[sflag:s22] =	ssyncset.done $0x0  }
0xa6: {  	[sflag:s22] =	ssyncadd.s32 s5;
	_ =	sdelay $0x1  }
0xa7: {  	s23 =	simm.s32 $0x1B8B  }
0xa8: {  	_ =	swait.ge [sflag:s23], $0x1  }
0xa9: {  	[sflag:s23] =	ssyncset.done $0x0  }
0xaa: {  	s25 =	simm.s32 $0x1B8E;
	s24 =	sld [smem:$0x3FFE];
	[sflag:s23] =	ssyncadd.s32 $0xFFFFFFFF  }
0xab: {  	s26 =	simm.s32 $execute0_lowered;
	[smem:$0x3FD2] =	sst s25  }
0xac: {  	s6 =	sshll.u32 s26, $0x1;
	_ =	strace $0x80000049;
	[dreg:$0x1] =	wrdreg $0xFFFFFFFF  }
0xad: {  	s28 =	simm.s32 $_size_execute0_lowered;
	s4 =	sadd.s32 s4, s6;
	[dreg:$0x0] =	wrdreg $0x0  }
0xae: {  	s6 =	sshll.u32 s28, $0x1;
	[dreg:$0x2] =	wrdreg s4  }
0xaf: {  	[dreg:$0x3] =	wrdreg s6  }
0xb0: {  	[dreg:$0x4] =	wrdreg $0xC0  }
0xb1: {  	_ =	task [dreg:s8], $0x5FFFF  }
0xb2: {  	[dreg:$0x1] =	wrdreg $0xFFFFFFFF  }
0xb3: {  	[dreg:$0x0] =	wrdreg $0x60  }
0xb4: {  	[dreg:$0x2] =	wrdreg s24  }
0xb5: {  	[dreg:$0x3] =	wrdreg s17  }
0xb6: {  	[dreg:$0x4] =	wrdreg s16  }
0xb7: {  	[dreg:$0x5] =	wrdreg $0x41000  }
0xb8: {  	[dreg:$0x6] =	wrdreg $0x9  }
0xb9: {  	_ =	task.clear_ibuf [dreg:s8], $0x7FFFF;
	_ =	strace $0x90000049  }
0xba: {  	s29 =	simm.s32 $0x9;
	_ =	strace $0x8000004B  }
0xbb: {  	_ =	swait.ge [sflag:s29], $0x1  }
0xbc: {  	[sflag:s29] =	ssyncadd.s32 $0xFFFFFFFF  }
0xbd: {  	_ =	strace $0x9000004B  }
0xbe: {  	_ =	sfence  }
0xbf: {  	s30 =	sld [smem:$0x0];
	_ =	sdelay $0x2  }
0xc0: {  	s31 =	sshll.u32 s1, $0xD;
	s1 =	sshrl.u32 s1, $0x2  }
0xc1: {  	s3 =	sand.u32 $0x4000, s31;
	s1 =	sadd.s32 s1, s30  }
0xc2: {  	s0 =	sor.u32 s3, s0;
	s1 =	sshll.u32 s1, $0x11  }
0xc3: {  	s0 =	sor.u32 s1, s0  }
0xc4: {  	s0 =	sadd.s32 $0x8F2B, s0  }
0xc5: {  	[sflag:s0] =	ssyncadd.remote.s32 $0x1  }
0xc6: {  	_ =	sfence.sel $0xFFFF  }
0xc7: {  	[dreg:$0x0] =	wrdreg $0xFFFFFFFF;
	(pc) =	sbr.abs _section_cstart, $3  }
0xc8: {  	[dreg:$0x1] =	wrdreg $0xFFFFFFFF  }
0xc9: {  	_ =	task.clear_ibuf [dreg:s8], $0x2FFFF;
	_ =	strace $0x9FFFFFFF  }
0xca: {  	(tm) =	ssettm $0x7FFFFFFF  }
0xcb: {  	_ =	shalt  }
tec
execute0_lowered:
.L_overlay_start_1:
0x0: {  	(tag) =	ssettag $0x1  }
0x1: {  	s5 =	rddreg [dreg:$0x0]  }
0x2: {  	s10 =	rddreg [dreg:$0x1]  }
0x3: {  	s8 =	rddreg [dreg:$0x2]  }
0x4: {  	s2 =	rddreg [dreg:$0x3]  }
0x5: {  	s0 =	rddreg [dreg:$0x4];
	s1 =	stileid.u32  }
0x6: {  	s4 =	srdreg.scid;
	s3 =	simm.s32 $0x0;
	s6 =	smul.u32 $0x2800, s1  }
0x7: {  	s15 =	simm.s32 $0x0;
	s7 =	sand.u32 $0x1, s4;
	s11 =	smul.u32 $0x50000, s1  }
0x8: {  	[smem:$0x7FF] =	sst s3;
	s4 =	sadd.s32 $0x7C800, s5;
	s30 =	smul.u32 $0x500, s1  }
0x9: {  	s29 =	sshll.u32 s1, $0x6;
	s9 =	smul.u32 $0x28000, s7;
	_ =	strace $0x8000004A  }
0xa: {  	s25 =	ssub.s32 $0x2, s7;
	s14 =	smul.u32 $0x5000, s7;
	s12 =	sadd.s32 s6, s5  }
0xb: {  	s26 =	sshrl.u32 s25, $0x1;
	s28 =	sshrl.u32 s11, $0x2;
	s6 =	sadd.s32 s6, s9  }
0xc: {  	s9 =	ssub.s32 s25, s26;
	s11 =	sadd.s32 s28, s2;
	s31 =	sadd.s32 s14, s8  }
0xd: {  	s10 =	sadd.s32 s14, s10;
	s14 =	simm.s32 $0x100;
	s13 =	sadd.s32 s6, s5  }
0xe: {  	s5 =	sadd.s32 $0x4000, s12;
	s6 =	sor.u32 $0x1C01, s29;
	s8 =	smax.u32 s9, $0x1  }
0xf: {  	s9 =	sadd.s32 s30, s31;
	s10 =	sadd.s32 s30, s10;
	s11 =	sshrl.u32 s11, $0x3  }
0x10: {  	s12 =	simm.s32 $0x1;
	s7 =	sadd.s32 $0xA4800, s13;
	s13 =	simm.s32 $0x80  }
.LBB2_1:
0x11: {  	[spmem:s11], [sflag:s6] =	dma.local [hbm:s5], $0x2800  }
0x12: {  	_ =	swait.ge [sflag:s12], $0x2800  }
0x13: {  	[sflag:s12] =	ssyncset.done $0x0  }
0x14: {  	[sflag:s12] =	ssyncadd.s32 $0xFFFFD800  }
0x15: {  	s16 =	sadd.s32 $0x0, s10;
	[bflag:$0x0] =	sbarrier.arrive $0xFFFF  }
0x16: {  	[tilespmem:s3], [sflag:$0x1] =	stream.linear.gather [hbm4b:s16+s3], $0x80, $0x38;
	[tilespmem:$0x18100] =	vst v63  }
0x17: {  	_ =	swait.ge [sflag:s12], $0x80  }
0x18: {  	[sflag:s12] =	ssyncset.done $0x0  }
0x19: {  	s31 =	sadd.s32 $0x0, s9;
	[sflag:s12] =	ssyncadd.s32 $0xFFFFFF80  }
0x1a: {  	[tilespmem:s13], [sflag:$0x1] =	stream.linear.gather [hbm4b:s31+s3], $0x80, $0x38;
	[tilespmem:$0x18100] =	vst v63  }
0x1b: {  	_ =	swait.ge [sflag:s12], $0x80  }
0x1c: {  	[sflag:s12] =	ssyncset.done $0x0  }
0x1d: {  	[sflag:s12] =	ssyncadd.s32 $0xFFFFFF80  }
0x1e: {  	[tilespmem:s14], [sflag:$0x1] =	stream.indirect.gather [hbm4b:s4+s13], $0x80, s3, s13, $0xb8;
	[tilespmem:$0x18100] =	vst v63  }
0x1f: {  	_ =	swait.ge [sflag:s12], $0x4000  }
0x20: {  	[sflag:s12] =	ssyncset.done $0x0  }
0x21: {  	[sflag:s12] =	ssyncadd.s32 $0xFFFFC000  }
0x22: {  	[spmem:s2] =	stream.indirect.scatter.add.f32 [tilespmem:s14], [sflag:$0x1], $0x80, s13, s13, $0xb8;
	[tilespmem:$0x18100] =	vst v63  }
0x23: {  	_ =	swait.ge [sflag:s12], $0x4000  }
0x24: {  	s17 =	simm.s32 $0x20;
	s16 =	simm.s32 $0x10;
	[sflag:s12] =	ssyncset.done $0x0  }
.LBB2_2:
0x25: {  	s18 =	sadd.s32 s16, s10  }
0x26: {  	[sflag:s12] =	ssyncadd.s32 $0xFFFFC000;
	s19 =	smov.u32 s17;
	s20 =	sadd.s32 $0x10, s17  }
0x27: {  	[tilespmem:s3], [sflag:$0x1] =	stream.linear.gather [hbm4b:s18+s3], $0x80, $0x38;
	[tilespmem:$0x18100] =	vst v63  }
0x28: {  	p0 =	sne.s32 s17, $0x4F0;
	_ =	swait.ge [sflag:s12], $0x80  }
0x29: {  	[sflag:s12] =	ssyncset.done $0x0  }
0x2a: {  	s17 =	sadd.s32 s16, s9;
	s16 =	smov.u32 s19;
	[sflag:s12] =	ssyncadd.s32 $0xFFFFFF80  }
0x2b: {  	[tilespmem:s13], [sflag:$0x1] =	stream.linear.gather [hbm4b:s17+s3], $0x80, $0x38;
	[tilespmem:$0x18100] =	vst v63  }
0x2c: {  	_ =	swait.ge [sflag:s12], $0x80  }
0x2d: {  	[sflag:s12] =	ssyncset.done $0x0  }
0x2e: {  	[sflag:s12] =	ssyncadd.s32 $0xFFFFFF80  }
0x2f: {  	[tilespmem:s14], [sflag:$0x1] =	stream.indirect.gather [hbm4b:s4+s13], $0x80, s3, s13, $0xb8;
	[tilespmem:$0x18100] =	vst v63  }
0x30: {  	_ =	swait.ge [sflag:s12], $0x4000  }
.Ltmp0:
0x31: {  	[sflag:s12] =	ssyncset.done $0x0;
	(pc) =	sbr.rel @p0 .LBB2_2-.Ltmp0, $4  }
0x32: {  	[sflag:s12] =	ssyncadd.s32 $0xFFFFC000  }
0x33: {  	[spmem:s2] =	stream.indirect.scatter.add.f32 [tilespmem:s14], [sflag:$0x1], $0x80, s13, s13, $0xb8;
	[tilespmem:$0x18100] =	vst v63  }
0x34: {  	_ =	swait.ge [sflag:s12], $0x4000  }
0x35: {  	s17 =	smov.u32 s20;
	[sflag:s12] =	ssyncset.done $0x0  }
0x36: {  	s17 =	sadd.s32 s16, s10;
	[sflag:s12] =	ssyncadd.s32 $0xFFFFC000  }
0x37: {  	[tilespmem:s3], [sflag:$0x1] =	stream.linear.gather [hbm4b:s17+s3], $0x80, $0x38;
	[tilespmem:$0x18100] =	vst v63  }
0x38: {  	_ =	swait.ge [sflag:s12], $0x80  }
0x39: {  	[sflag:s12] =	ssyncset.done $0x0  }
0x3a: {  	s31 =	sadd.s32 s16, s9;
	[sflag:s12] =	ssyncadd.s32 $0xFFFFFF80  }
0x3b: {  	[tilespmem:s13], [sflag:$0x1] =	stream.linear.gather [hbm4b:s31+s3], $0x80, $0x38;
	[tilespmem:$0x18100] =	vst v63  }
0x3c: {  	_ =	swait.ge [sflag:s12], $0x80  }
0x3d: {  	[sflag:s12] =	ssyncset.done $0x0  }
0x3e: {  	[sflag:s12] =	ssyncadd.s32 $0xFFFFFF80  }
0x3f: {  	[tilespmem:s14], [sflag:$0x1] =	stream.indirect.gather [hbm4b:s4+s13], $0x80, s3, s13, $0xb8;
	[tilespmem:$0x18100] =	vst v63  }
0x40: {  	_ =	swait.ge [sflag:s12], $0x4000  }
0x41: {  	[sflag:s12] =	ssyncset.done $0x0  }
0x42: {  	[sflag:s12] =	ssyncadd.s32 $0xFFFFC000  }
0x43: {  	[spmem:s2] =	stream.indirect.scatter.add.f32 [tilespmem:s14], [sflag:$0x1], $0x80, s13, s13, $0xb8;
	[tilespmem:$0x18100] =	vst v63  }
0x44: {  	_ =	swait.ge [sflag:s12], $0x4000  }
0x45: {  	s15 =	sadd.s32 $0x1, s15;
	[sflag:s12] =	ssyncset.done $0x0  }
0x46: {  	p0 =	sne.s32 s15, s8;
	[sflag:s12] =	ssyncadd.s32 $0xFFFFC000  }
.Ltmp1:
0x47: {  	[bflag:$0x0] =	sbarrier.arrive $0xFFFF;
	(pc) =	sbr.rel @p0 .LBB2_1-.Ltmp1, $4  }
0x48: {  	[hbm:s7], [sflag:s6] =	dma.local [spmem:s11], $0x2800  }
0x49: {  	_ =	swait.ge [sflag:s12], $0x2800  }
0x4a: {  	[sflag:s12] =	ssyncset.done $0x0  }
0x4b: {  	[sflag:s12] =	ssyncadd.s32 $0xFFFFD800  }
0x4c: {  	_ =	sfence.sel $0x180000  }
0x4d: {  	[bflag:$0x0] =	sbarrier.arrive $0xFFFF  }
0x4e: {  	p0 =	sne.s32 s1, $0x0;
	_ =	strace $0x9000004A  }
0x4f: {  	s0 =	sadd.s32 @!p0 $0x100000, s0;
	[bflag:$0x2] =	sbarrier.arrive $0xFFFF  }
0x50: {  	[sflag:s0] =	ssyncadd.tile.s32 @!p0 $0x1;
	_ =	shalt  }
.Lfunc_end2:
_tile_overlayer_lowered:
.L_overlay_start_2:
0x51: {  	(tag) =	ssettag $0x2  }
0x52: {  	s0 =	rddreg [dreg:$0x0];
	s2 =	stileid.u32  }
0x53: {  	s1 =	rddreg [dreg:$0x1];
	p0 =	sne.s32 s2, $0x0  }
0x54: {  	s3 =	rddreg [dreg:$0x2];
	[bflag:$0x3] =	sbarrier.arrive $0xFFFF;
	s2 =	simm.s32 @!p0 $0x1C01  }
0x55: {  	[timem:s3], [sflag:s2] =	dma.local @!p0 [hbm:s0], s1  }
0x56: {  	s0 =	simm.s32 @!p0 $0x1  }
0x57: {  	_ =	swait.ge @!p0 [sflag:s0], s1  }
0x58: {  	s1 =	ssub.s32 @!p0 $0x0, s1;
	[sflag:s0] =	ssyncset.done @!p0 $0x0  }
0x59: {  	[sflag:s0] =	ssyncadd.s32 @!p0 s1  }
0x5a: {  	[bflag:$0x3] =	sbarrier.arrive $0xFFFF  }
0x5b: {  	_ =	shalt  }

// kernel: kernel.16.cloned.1.call-start
scs
__scs_entry_jumppad:
0x0: {  	(pc) =	sbr.rel $0x88, $3  }
0x1: {  	(tag) =	ssettag $0x0;
	lr =	simm.s32 $0x1  }
0x2: {  	[smem:$0x3F95] =	sst lr;
	_ =	strace $0xD0000000  }
0x3: {  	_ = 	snop  }
0x4: {  	_ = 	snop  }
0x5: {  	_ = 	snop  }
0x6: {  	_ = 	snop  }
0x7: {  	_ = 	snop  }
__scs_overlays_trampoline_lowered:
0x8: {  	[smem:$0x3FA4] =	sst s0  }
0x9: {  	[smem:$0x3FA5] =	sst s1  }
0xa: {  	[smem:$0x3FA6] =	sst s2  }
0xb: {  	[smem:$0x3FA7] =	sst s3  }
0xc: {  	[smem:$0x3FA8] =	sst s4  }
0xd: {  	[smem:$0x3FA9] =	sst s5  }
0xe: {  	[smem:$0x3FAA] =	sst s6  }
0xf: {  	[smem:$0x3FAB] =	sst s7  }
0x10: {  	[smem:$0x3FAC] =	sst s8  }
0x11: {  	[smem:$0x3FAD] =	sst s9;
	s0 =	simm.s32 @!p0 $0x0  }
0x12: {  	s1 =	sld [smem:$0x3F93];
	s0 =	simm.s32 @p0 $0x1  }
0x13: {  	[smem:$0x3FAE] =	sst s0;
	s0 =	simm.s32 @!p1 $0x0  }
0x14: {  	s2 =	sld [smem:$0x3F92];
	s0 =	simm.s32 @p1 $0x1  }
0x15: {  	[smem:$0x3FAF] =	sst s0;
	s0 =	simm.s32 @!p2 $0x0  }
0x16: {  	s3 =	sld [smem:$0x3FDB];
	s0 =	simm.s32 @p2 $0x1  }
0x17: {  	s4 =	simm.s32 $0x1BF5;
	[smem:$0x3FB1] =	sst s0  }
0x18: {  	s0 =	sld [smem:$0x3F94];
	_ =	swait.ge [sflag:s4], $0x0  }
0x19: {  	s7 =	sld [smem:$0x3F95]  }
0x1a: {  	s8 =	sadd.s32 $0xFFFFE003, lr  }
0x1b: {  	s9 =	sadd.s32 $0xFFFFFEF7, lr;
	s5 =	simm.s32 $0xFFFFFFFF;
	p2 =	slt.u32 s8, $0xFFFFF086  }
0x1c: {  	p1 =	slt.u32 s9, $0xF7A;
	s5 =	simm.s32 @!p2 $0x0  }
0x1d: {  	s5 =	simm.s32 @p1 $0x1;
	p0 =	seq.s32 s7, s2  }
0x1e: {  	s7 =	smul.u32 @!p0 $0xF7A, s2;
	p2 =	seq.s32 @!p0 s5, $0x0  }
0x1f: {  	s9 =	smul.u32 $0xF7A, s1;
	s8 =	simm.s32 @!p0 $0x1BF5;
	p2 =	por !p2, p0  }
0x20: {  	[sflag:s8] =	ssyncset.s32 @!p0 $0xFFFFF086;
	s6 =	sadd.s32 @!p0 s3, s7;
	s7 =	simm.s32 @!p0 $0x108  }
0x21: {  	s3 =	sadd.s32 s3, s9;
	s6 =	sadd.s32 @!p0 $0x88, s6;
	s7 =	simm.s32 @p2 $0x1082  }
0x22: {  	[simem:s7], [sflag:s8] =	dma.local @!p0 [hbm:s6], $0xF7A  }
0x23: {  	s9 =	sor.u32 $0xD0000000, s2;
	s6 =	simm.s32 $0x108;
	_ =	swait.ge @!p0 [sflag:s8], $0x0  }
0x24: {  	s3 =	sadd.s32 $0x88, s3;
	s6 =	simm.s32 @!p1 $0x1082;
	[sflag:s4] =	ssyncset.s32 $0xFFFFF086  }
0x25: {  	[simem:s6], [sflag:s4] =	dma.local [hbm:s3], $0xF7A  }
0x26: {  	[smem:$0x3F95] =	sst s1;
	(tag) =	ssettag s2;
	_ =	strace s9  }
0x27: {  	s1 =	sld [smem:$0x3FA5]  }
0x28: {  	s2 =	sld [smem:$0x3FA6]  }
0x29: {  	s4 =	sld [smem:$0x3FA8]  }
0x2a: {  	p0 =	seq.s32 s5, $0x0;
	s5 =	sld [smem:$0x3FA9]  }
0x2b: {  	s6 =	sld [smem:$0x3FAA]  }
0x2c: {  	s7 =	sld [smem:$0x3FAB]  }
0x2d: {  	s3 =	simm.s32 $0x108;
	s8 =	sld [smem:$0x3FAC]  }
0x2e: {  	s3 =	simm.s32 @!p0 $0x1082;
	s9 =	sld [smem:$0x3FAD]  }
0x2f: {  	lr =	sadd.s32 s0, s3;
	s0 =	sld [smem:$0x3FA4]  }
0x30: {  	s3 =	sld [smem:$0x3FA7]  }
0x31: {  	[smem:$0x3FB0] =	sst s10  }
0x32: {  	s10 =	sld [smem:$0x3FAE];
	_ =	sdelay $0x3  }
0x33: {  	p0 =	seq.s32 s10, $0x1;
	s10 =	sld [smem:$0x3FB0];
	_ =	sdelay $0x3  }
0x34: {  	[smem:$0x3FB0] =	sst s10  }
0x35: {  	s10 =	sld [smem:$0x3FAF];
	_ =	sdelay $0x3  }
0x36: {  	p1 =	seq.s32 s10, $0x1;
	s10 =	sld [smem:$0x3FB0];
	_ =	sdelay $0x3  }
0x37: {  	[smem:$0x3FB0] =	sst s10  }
0x38: {  	s10 =	sld [smem:$0x3FB1]  }
0x39: {  	_ = 	snop;
	(pc) =	sbr.ind lr, $3  }
0x3a: {  	_ = 	snop  }
0x3b: {  	_ = 	snop  }
0x3c: {  	p2 =	seq.s32 s10, $0x1;
	s10 =	sld [smem:$0x3FB0]  }
0x3d: {  	_ =	shalt  }
0x3e: {  	_ =	shalt  }
0x3f: {  	_ =	shalt  }
0x40: {  	_ =	shalt  }
0x41: {  	_ =	shalt  }
0x42: {  	_ =	shalt  }
0x43: {  	_ =	shalt  }
0x44: {  	_ =	shalt  }
0x45: {  	_ =	shalt  }
0x46: {  	_ =	shalt  }
0x47: {  	_ =	shalt  }
0x48: {  	_ =	shalt  }
0x49: {  	_ =	shalt  }
0x4a: {  	_ =	shalt  }
0x4b: {  	_ =	shalt  }
0x4c: {  	_ =	shalt  }
0x4d: {  	_ =	shalt  }
0x4e: {  	_ =	shalt  }
0x4f: {  	_ =	shalt  }
0x50: {  	_ =	shalt  }
0x51: {  	_ =	shalt  }
0x52: {  	_ =	shalt  }
0x53: {  	_ =	shalt  }
0x54: {  	_ =	shalt  }
0x55: {  	_ =	shalt  }
0x56: {  	_ =	shalt  }
0x57: {  	_ =	shalt  }
0x58: {  	_ =	shalt  }
0x59: {  	_ =	shalt  }
0x5a: {  	_ =	shalt  }
0x5b: {  	_ =	shalt  }
0x5c: {  	_ =	shalt  }
0x5d: {  	_ =	shalt  }
0x5e: {  	_ =	shalt  }
0x5f: {  	_ =	shalt  }
0x60: {  	_ =	shalt  }
0x61: {  	_ =	shalt  }
0x62: {  	_ =	shalt  }
0x63: {  	_ =	shalt  }
0x64: {  	_ =	shalt  }
0x65: {  	_ =	shalt  }
0x66: {  	_ =	shalt  }
0x67: {  	_ =	shalt  }
0x68: {  	_ =	shalt  }
0x69: {  	_ =	shalt  }
0x6a: {  	_ =	shalt  }
0x6b: {  	_ =	shalt  }
0x6c: {  	_ =	shalt  }
0x6d: {  	_ =	shalt  }
0x6e: {  	_ =	shalt  }
0x6f: {  	_ =	shalt  }
0x70: {  	_ =	shalt  }
0x71: {  	_ =	shalt  }
0x72: {  	_ =	shalt  }
0x73: {  	_ =	shalt  }
0x74: {  	_ =	shalt  }
0x75: {  	_ =	shalt  }
0x76: {  	_ =	shalt  }
0x77: {  	_ =	shalt  }
0x78: {  	_ =	shalt  }
0x79: {  	_ =	shalt  }
0x7a: {  	_ =	shalt  }
0x7b: {  	_ =	shalt  }
0x7c: {  	_ =	shalt  }
0x7d: {  	_ =	shalt  }
0x7e: {  	_ =	shalt  }
0x7f: {  	_ =	shalt  }
0x80: {  	_ =	shalt  }
0x81: {  	_ =	shalt  }
0x82: {  	_ =	shalt  }
0x83: {  	_ =	shalt  }
0x84: {  	_ =	shalt  }
0x85: {  	_ =	shalt  }
0x86: {  	_ =	shalt  }
0x87: {  	_ =	shalt  }
.Lfunc_end0:
.L_simem_size_0:
called_computation.2_lowered:
.L_overlay_start_0:
0x88: {  	s2 =	sld [smem:$0x3FD9]  }
0x89: {  	s3 =	sld [smem:$0x3FFE];
	_ =	sdelay $0x1  }
0x8a: {  	s1 =	srdreg.scid  }
0x8b: {  	s0 =	sand.u32 $0x1, s1  }
0x8c: {  	s14 =	sshll.u32 s0, $0xA;
	s2 =	sadd.s32 s3, s2  }
0x8d: {  	s2 =	sadd.s32 s2, s14  }
0x8e: {  	[smem:$0x3FBC] =	sst s2  }
0x8f: {  	_ = 	snop  }
0x90: {  	s2 =	sld [smem:$0x3FD0];
	_ =	sdelay $0x2  }
0x91: {  	s15 =	simm.s32 $0xA;
	s4 =	simm.s32 $0x10  }
0x92: {  	[smem:s4], [sflag:s15] =	dma.local [hbm:s2], $0x1  }
0x93: {  	_ =	swait.eq [sflag:s15], $0x1  }
0x94: {  	[sflag:s15] =	ssyncset.done $0x0  }
0x95: {  	s16 =	sld [smem:$0x10];
	[sflag:s15] =	ssyncadd.s32 $0xFFFFFFFF  }
0x96: {  	s17 =	sld [smem:$0x11];
	(tm) =	ssettm $0x1  }
0x97: {  	s18 =	sld [smem:$0x3FFB];
	_ =	sdelay $0x3  }
0x98: {  	_ =	strace s18  }
0x99: {  	s4 =	sld [smem:$0x3FFC];
	_ =	sdelay $0x3  }
0x9a: {  	_ =	strace s4  }
0x9b: {  	s4 =	sld [smem:$0x3FFD];
	_ =	sdelay $0x3  }
0x9c: {  	_ =	strace s4  }
0x9d: {  	_ =	strace $0x8FFFFFFF  }
0x9e: {  	s19 =	sld [smem:$0x3FDB];
	_ =	sdelay $0x1  }
0x9f: {  	s5 =	simm.s32 $_scs_section_size  }
0xa0: {  	s6 =	simm.s32 $_size__tile_overlayer_lowered;
	s7 =	simm.s32 $_tile_overlayer_lowered  }
0xa1: {  	s22 =	simm.s32 $0x1BFF;
	s21 =	sshll.u32 s7, $0x1;
	s4 =	sadd.s32 s5, s19  }
0xa2: {  	s8 =	simm.s32 $0x0;
	s20 =	sshll.u32 s6, $0x1;
	s6 =	sadd.s32 s21, s4  }
0xa3: {  	[timem:s8], [sflag:s22] =	dma.local [hbm:s6], s20  }
0xa4: {  	_ =	swait.ge [sflag:s22], s20  }
0xa5: {  	s5 =	ssub.s32 $0x0, s20;
	[sflag:s22] =	ssyncset.done $0x0  }
0xa6: {  	[sflag:s22] =	ssyncadd.s32 s5;
	_ =	sdelay $0x1  }
0xa7: {  	s23 =	simm.s32 $0x1B8B  }
0xa8: {  	_ =	swait.ge [sflag:s23], $0x1  }
0xa9: {  	[sflag:s23] =	ssyncset.done $0x0  }
0xaa: {  	s25 =	simm.s32 $0x1B8E;
	s24 =	sld [smem:$0x3FFE];
	[sflag:s23] =	ssyncadd.s32 $0xFFFFFFFF  }
0xab: {  	s26 =	simm.s32 $execute0_lowered;
	[smem:$0x3FD2] =	sst s25  }
0xac: {  	s6 =	sshll.u32 s26, $0x1;
	_ =	strace $0x8000004C;
	[dreg:$0x1] =	wrdreg $0xFFFFFFFF  }
0xad: {  	s28 =	simm.s32 $_size_execute0_lowered;
	s4 =	sadd.s32 s4, s6;
	[dreg:$0x0] =	wrdreg $0x0  }
0xae: {  	s6 =	sshll.u32 s28, $0x1;
	[dreg:$0x2] =	wrdreg s4  }
0xaf: {  	[dreg:$0x3] =	wrdreg s6  }
0xb0: {  	[dreg:$0x4] =	wrdreg $0xC0  }
0xb1: {  	_ =	task [dreg:s8], $0x5FFFF  }
0xb2: {  	[dreg:$0x1] =	wrdreg $0xFFFFFFFF  }
0xb3: {  	[dreg:$0x0] =	wrdreg $0x60  }
0xb4: {  	[dreg:$0x2] =	wrdreg s24  }
0xb5: {  	[dreg:$0x3] =	wrdreg s17  }
0xb6: {  	[dreg:$0x4] =	wrdreg s16  }
0xb7: {  	[dreg:$0x5] =	wrdreg $0x41000  }
0xb8: {  	[dreg:$0x6] =	wrdreg $0x9  }
0xb9: {  	_ =	task.clear_ibuf [dreg:s8], $0x7FFFF;
	_ =	strace $0x9000004C  }
0xba: {  	s29 =	simm.s32 $0x9;
	_ =	strace $0x8000004E  }
0xbb: {  	_ =	swait.ge [sflag:s29], $0x1  }
0xbc: {  	[sflag:s29] =	ssyncadd.s32 $0xFFFFFFFF  }
0xbd: {  	_ =	strace $0x9000004E  }
0xbe: {  	_ =	sfence  }
0xbf: {  	s30 =	sld [smem:$0x0];
	_ =	sdelay $0x2  }
0xc0: {  	s31 =	sshll.u32 s1, $0xD;
	s1 =	sshrl.u32 s1, $0x2  }
0xc1: {  	s3 =	sand.u32 $0x4000, s31;
	s1 =	sadd.s32 s1, s30  }
0xc2: {  	s0 =	sor.u32 s3, s0;
	s1 =	sshll.u32 s1, $0x11  }
0xc3: {  	s0 =	sor.u32 s1, s0  }
0xc4: {  	s0 =	sadd.s32 $0x8F2B, s0  }
0xc5: {  	[sflag:s0] =	ssyncadd.remote.s32 $0x1  }
0xc6: {  	_ =	sfence.sel $0xFFFF  }
0xc7: {  	[dreg:$0x0] =	wrdreg $0xFFFFFFFF;
	(pc) =	sbr.abs _section_cstart, $3  }
0xc8: {  	[dreg:$0x1] =	wrdreg $0xFFFFFFFF  }
0xc9: {  	_ =	task.clear_ibuf [dreg:s8], $0x2FFFF;
	_ =	strace $0x9FFFFFFF  }
0xca: {  	(tm) =	ssettm $0x7FFFFFFF  }
0xcb: {  	_ =	shalt  }
tec
execute0_lowered:
.L_overlay_start_1:
0x0: {  	(tag) =	ssettag $0x1  }
0x1: {  	s5 =	rddreg [dreg:$0x0]  }
0x2: {  	s10 =	rddreg [dreg:$0x1]  }
0x3: {  	s8 =	rddreg [dreg:$0x2]  }
0x4: {  	s2 =	rddreg [dreg:$0x3]  }
0x5: {  	s0 =	rddreg [dreg:$0x4];
	s1 =	stileid.u32  }
0x6: {  	s4 =	srdreg.scid;
	s3 =	simm.s32 $0x0;
	s6 =	smul.u32 $0x2800, s1  }
0x7: {  	s15 =	simm.s32 $0x0;
	s7 =	sand.u32 $0x1, s4;
	s11 =	smul.u32 $0x50000, s1  }
0x8: {  	[smem:$0x7FF] =	sst s3;
	s4 =	sadd.s32 $0x7C800, s5;
	s30 =	smul.u32 $0x500, s1  }
0x9: {  	s29 =	sshll.u32 s1, $0x6;
	s9 =	smul.u32 $0x28000, s7;
	_ =	strace $0x8000004D  }
0xa: {  	s25 =	ssub.s32 $0x2, s7;
	s14 =	smul.u32 $0x5000, s7;
	s12 =	sadd.s32 s6, s5  }
0xb: {  	s26 =	sshrl.u32 s25, $0x1;
	s28 =	sshrl.u32 s11, $0x2;
	s6 =	sadd.s32 s6, s9  }
0xc: {  	s9 =	ssub.s32 s25, s26;
	s11 =	sadd.s32 s28, s2;
	s31 =	sadd.s32 s14, s8  }
0xd: {  	s10 =	sadd.s32 s14, s10;
	s14 =	simm.s32 $0x100;
	s13 =	sadd.s32 s6, s5  }
0xe: {  	s5 =	sadd.s32 $0x4000, s12;
	s6 =	sor.u32 $0x1C01, s29;
	s8 =	smax.u32 s9, $0x1  }
0xf: {  	s9 =	sadd.s32 s30, s31;
	s10 =	sadd.s32 s30, s10;
	s11 =	sshrl.u32 s11, $0x3  }
0x10: {  	s12 =	simm.s32 $0x1;
	s7 =	sadd.s32 $0xA4800, s13;
	s13 =	simm.s32 $0x80  }
.LBB2_1:
0x11: {  	[spmem:s11], [sflag:s6] =	dma.local [hbm:s5], $0x2800  }
0x12: {  	_ =	swait.ge [sflag:s12], $0x2800  }
0x13: {  	[sflag:s12] =	ssyncset.done $0x0  }
0x14: {  	[sflag:s12] =	ssyncadd.s32 $0xFFFFD800  }
0x15: {  	s16 =	sadd.s32 $0x0, s10;
	[bflag:$0x0] =	sbarrier.arrive $0xFFFF  }
0x16: {  	[tilespmem:s3], [sflag:$0x1] =	stream.linear.gather [hbm4b:s16+s3], $0x80, $0x38;
	[tilespmem:$0x18100] =	vst v63  }
0x17: {  	_ =	swait.ge [sflag:s12], $0x80  }
0x18: {  	[sflag:s12] =	ssyncset.done $0x0  }
0x19: {  	s31 =	sadd.s32 $0x0, s9;
	[sflag:s12] =	ssyncadd.s32 $0xFFFFFF80  }
0x1a: {  	[tilespmem:s13], [sflag:$0x1] =	stream.linear.gather [hbm4b:s31+s3], $0x80, $0x38;
	[tilespmem:$0x18100] =	vst v63  }
0x1b: {  	_ =	swait.ge [sflag:s12], $0x80  }
0x1c: {  	[sflag:s12] =	ssyncset.done $0x0  }
0x1d: {  	[sflag:s12] =	ssyncadd.s32 $0xFFFFFF80  }
0x1e: {  	[tilespmem:s14], [sflag:$0x1] =	stream.indirect.gather [hbm4b:s4+s13], $0x80, s3, s13, $0xb8;
	[tilespmem:$0x18100] =	vst v63  }
0x1f: {  	_ =	swait.ge [sflag:s12], $0x4000  }
0x20: {  	[sflag:s12] =	ssyncset.done $0x0  }
0x21: {  	[sflag:s12] =	ssyncadd.s32 $0xFFFFC000  }
0x22: {  	[spmem:s2] =	stream.indirect.scatter.add.f32 [tilespmem:s14], [sflag:$0x1], $0x80, s13, s13, $0xb8;
	[tilespmem:$0x18100] =	vst v63  }
0x23: {  	_ =	swait.ge [sflag:s12], $0x4000  }
0x24: {  	s17 =	simm.s32 $0x20;
	s16 =	simm.s32 $0x10;
	[sflag:s12] =	ssyncset.done $0x0  }
.LBB2_2:
0x25: {  	s18 =	sadd.s32 s16, s10  }
0x26: {  	[sflag:s12] =	ssyncadd.s32 $0xFFFFC000;
	s19 =	smov.u32 s17;
	s20 =	sadd.s32 $0x10, s17  }
0x27: {  	[tilespmem:s3], [sflag:$0x1] =	stream.linear.gather [hbm4b:s18+s3], $0x80, $0x38;
	[tilespmem:$0x18100] =	vst v63  }
0x28: {  	p0 =	sne.s32 s17, $0x4F0;
	_ =	swait.ge [sflag:s12], $0x80  }
0x29: {  	[sflag:s12] =	ssyncset.done $0x0  }
0x2a: {  	s17 =	sadd.s32 s16, s9;
	s16 =	smov.u32 s19;
	[sflag:s12] =	ssyncadd.s32 $0xFFFFFF80  }
0x2b: {  	[tilespmem:s13], [sflag:$0x1] =	stream.linear.gather [hbm4b:s17+s3], $0x80, $0x38;
	[tilespmem:$0x18100] =	vst v63  }
0x2c: {  	_ =	swait.ge [sflag:s12], $0x80  }
0x2d: {  	[sflag:s12] =	ssyncset.done $0x0  }
0x2e: {  	[sflag:s12] =	ssyncadd.s32 $0xFFFFFF80  }
0x2f: {  	[tilespmem:s14], [sflag:$0x1] =	stream.indirect.gather [hbm4b:s4+s13], $0x80, s3, s13, $0xb8;
	[tilespmem:$0x18100] =	vst v63  }
0x30: {  	_ =	swait.ge [sflag:s12], $0x4000  }
.Ltmp0:
0x31: {  	[sflag:s12] =	ssyncset.done $0x0;
	(pc) =	sbr.rel @p0 .LBB2_2-.Ltmp0, $4  }
0x32: {  	[sflag:s12] =	ssyncadd.s32 $0xFFFFC000  }
0x33: {  	[spmem:s2] =	stream.indirect.scatter.add.f32 [tilespmem:s14], [sflag:$0x1], $0x80, s13, s13, $0xb8;
	[tilespmem:$0x18100] =	vst v63  }
0x34: {  	_ =	swait.ge [sflag:s12], $0x4000  }
0x35: {  	s17 =	smov.u32 s20;
	[sflag:s12] =	ssyncset.done $0x0  }
0x36: {  	s17 =	sadd.s32 s16, s10;
	[sflag:s12] =	ssyncadd.s32 $0xFFFFC000  }
0x37: {  	[tilespmem:s3], [sflag:$0x1] =	stream.linear.gather [hbm4b:s17+s3], $0x80, $0x38;
	[tilespmem:$0x18100] =	vst v63  }
0x38: {  	_ =	swait.ge [sflag:s12], $0x80  }
0x39: {  	[sflag:s12] =	ssyncset.done $0x0  }
0x3a: {  	s31 =	sadd.s32 s16, s9;
	[sflag:s12] =	ssyncadd.s32 $0xFFFFFF80  }
0x3b: {  	[tilespmem:s13], [sflag:$0x1] =	stream.linear.gather [hbm4b:s31+s3], $0x80, $0x38;
	[tilespmem:$0x18100] =	vst v63  }
0x3c: {  	_ =	swait.ge [sflag:s12], $0x80  }
0x3d: {  	[sflag:s12] =	ssyncset.done $0x0  }
0x3e: {  	[sflag:s12] =	ssyncadd.s32 $0xFFFFFF80  }
0x3f: {  	[tilespmem:s14], [sflag:$0x1] =	stream.indirect.gather [hbm4b:s4+s13], $0x80, s3, s13, $0xb8;
	[tilespmem:$0x18100] =	vst v63  }
0x40: {  	_ =	swait.ge [sflag:s12], $0x4000  }
0x41: {  	[sflag:s12] =	ssyncset.done $0x0  }
0x42: {  	[sflag:s12] =	ssyncadd.s32 $0xFFFFC000  }
0x43: {  	[spmem:s2] =	stream.indirect.scatter.add.f32 [tilespmem:s14], [sflag:$0x1], $0x80, s13, s13, $0xb8;
	[tilespmem:$0x18100] =	vst v63  }
0x44: {  	_ =	swait.ge [sflag:s12], $0x4000  }
0x45: {  	s15 =	sadd.s32 $0x1, s15;
	[sflag:s12] =	ssyncset.done $0x0  }
0x46: {  	p0 =	sne.s32 s15, s8;
	[sflag:s12] =	ssyncadd.s32 $0xFFFFC000  }
.Ltmp1:
0x47: {  	[bflag:$0x0] =	sbarrier.arrive $0xFFFF;
	(pc) =	sbr.rel @p0 .LBB2_1-.Ltmp1, $4  }
0x48: {  	[hbm:s7], [sflag:s6] =	dma.local [spmem:s11], $0x2800  }
0x49: {  	_ =	swait.ge [sflag:s12], $0x2800  }
0x4a: {  	[sflag:s12] =	ssyncset.done $0x0  }
0x4b: {  	[sflag:s12] =	ssyncadd.s32 $0xFFFFD800  }
0x4c: {  	_ =	sfence.sel $0x180000  }
0x4d: {  	[bflag:$0x0] =	sbarrier.arrive $0xFFFF  }
0x4e: {  	p0 =	sne.s32 s1, $0x0;
	_ =	strace $0x9000004D  }
0x4f: {  	s0 =	sadd.s32 @!p0 $0x100000, s0;
	[bflag:$0x2] =	sbarrier.arrive $0xFFFF  }
0x50: {  	[sflag:s0] =	ssyncadd.tile.s32 @!p0 $0x1;
	_ =	shalt  }
.Lfunc_end2:
_tile_overlayer_lowered:
.L_overlay_start_2:
0x51: {  	(tag) =	ssettag $0x2  }
0x52: {  	s0 =	rddreg [dreg:$0x0];
	s2 =	stileid.u32  }
0x53: {  	s1 =	rddreg [dreg:$0x1];
	p0 =	sne.s32 s2, $0x0  }
0x54: {  	s3 =	rddreg [dreg:$0x2];
	[bflag:$0x3] =	sbarrier.arrive $0xFFFF;
	s2 =	simm.s32 @!p0 $0x1C01  }
0x55: {  	[timem:s3], [sflag:s2] =	dma.local @!p0 [hbm:s0], s1  }
0x56: {  	s0 =	simm.s32 @!p0 $0x1  }
0x57: {  	_ =	swait.ge @!p0 [sflag:s0], s1  }
0x58: {  	s1 =	ssub.s32 @!p0 $0x0, s1;
	[sflag:s0] =	ssyncset.done @!p0 $0x0  }
0x59: {  	[sflag:s0] =	ssyncadd.s32 @!p0 s1  }
0x5a: {  	[bflag:$0x3] =	sbarrier.arrive $0xFFFF  }
0x5b: {  	_ =	shalt  }

// kernel: kernel.19.cloned.1.call-start
scs
__scs_entry_jumppad:
0x0: {  	(pc) =	sbr.rel $0x88, $3  }
0x1: {  	(tag) =	ssettag $0x0;
	lr =	simm.s32 $0x1  }
0x2: {  	[smem:$0x3F95] =	sst lr;
	_ =	strace $0xD0000000  }
0x3: {  	_ = 	snop  }
0x4: {  	_ = 	snop  }
0x5: {  	_ = 	snop  }
0x6: {  	_ = 	snop  }
0x7: {  	_ = 	snop  }
__scs_overlays_trampoline_lowered:
0x8: {  	[smem:$0x3FA4] =	sst s0  }
0x9: {  	[smem:$0x3FA5] =	sst s1  }
0xa: {  	[smem:$0x3FA6] =	sst s2  }
0xb: {  	[smem:$0x3FA7] =	sst s3  }
0xc: {  	[smem:$0x3FA8] =	sst s4  }
0xd: {  	[smem:$0x3FA9] =	sst s5  }
0xe: {  	[smem:$0x3FAA] =	sst s6  }
0xf: {  	[smem:$0x3FAB] =	sst s7  }
0x10: {  	[smem:$0x3FAC] =	sst s8  }
0x11: {  	[smem:$0x3FAD] =	sst s9;
	s0 =	simm.s32 @!p0 $0x0  }
0x12: {  	s1 =	sld [smem:$0x3F93];
	s0 =	simm.s32 @p0 $0x1  }
0x13: {  	[smem:$0x3FAE] =	sst s0;
	s0 =	simm.s32 @!p1 $0x0  }
0x14: {  	s2 =	sld [smem:$0x3F92];
	s0 =	simm.s32 @p1 $0x1  }
0x15: {  	[smem:$0x3FAF] =	sst s0;
	s0 =	simm.s32 @!p2 $0x0  }
0x16: {  	s3 =	sld [smem:$0x3FDB];
	s0 =	simm.s32 @p2 $0x1  }
0x17: {  	s4 =	simm.s32 $0x1BF5;
	[smem:$0x3FB1] =	sst s0  }
0x18: {  	s0 =	sld [smem:$0x3F94];
	_ =	swait.ge [sflag:s4], $0x0  }
0x19: {  	s7 =	sld [smem:$0x3F95]  }
0x1a: {  	s8 =	sadd.s32 $0xFFFFE003, lr  }
0x1b: {  	s9 =	sadd.s32 $0xFFFFFEF7, lr;
	s5 =	simm.s32 $0xFFFFFFFF;
	p2 =	slt.u32 s8, $0xFFFFF086  }
0x1c: {  	p1 =	slt.u32 s9, $0xF7A;
	s5 =	simm.s32 @!p2 $0x0  }
0x1d: {  	s5 =	simm.s32 @p1 $0x1;
	p0 =	seq.s32 s7, s2  }
0x1e: {  	s7 =	smul.u32 @!p0 $0xF7A, s2;
	p2 =	seq.s32 @!p0 s5, $0x0  }
0x1f: {  	s9 =	smul.u32 $0xF7A, s1;
	s8 =	simm.s32 @!p0 $0x1BF5;
	p2 =	por !p2, p0  }
0x20: {  	[sflag:s8] =	ssyncset.s32 @!p0 $0xFFFFF086;
	s6 =	sadd.s32 @!p0 s3, s7;
	s7 =	simm.s32 @!p0 $0x108  }
0x21: {  	s3 =	sadd.s32 s3, s9;
	s6 =	sadd.s32 @!p0 $0x88, s6;
	s7 =	simm.s32 @p2 $0x1082  }
0x22: {  	[simem:s7], [sflag:s8] =	dma.local @!p0 [hbm:s6], $0xF7A  }
0x23: {  	s9 =	sor.u32 $0xD0000000, s2;
	s6 =	simm.s32 $0x108;
	_ =	swait.ge @!p0 [sflag:s8], $0x0  }
0x24: {  	s3 =	sadd.s32 $0x88, s3;
	s6 =	simm.s32 @!p1 $0x1082;
	[sflag:s4] =	ssyncset.s32 $0xFFFFF086  }
0x25: {  	[simem:s6], [sflag:s4] =	dma.local [hbm:s3], $0xF7A  }
0x26: {  	[smem:$0x3F95] =	sst s1;
	(tag) =	ssettag s2;
	_ =	strace s9  }
0x27: {  	s1 =	sld [smem:$0x3FA5]  }
0x28: {  	s2 =	sld [smem:$0x3FA6]  }
0x29: {  	s4 =	sld [smem:$0x3FA8]  }
0x2a: {  	p0 =	seq.s32 s5, $0x0;
	s5 =	sld [smem:$0x3FA9]  }
0x2b: {  	s6 =	sld [smem:$0x3FAA]  }
0x2c: {  	s7 =	sld [smem:$0x3FAB]  }
0x2d: {  	s3 =	simm.s32 $0x108;
	s8 =	sld [smem:$0x3FAC]  }
0x2e: {  	s3 =	simm.s32 @!p0 $0x1082;
	s9 =	sld [smem:$0x3FAD]  }
0x2f: {  	lr =	sadd.s32 s0, s3;
	s0 =	sld [smem:$0x3FA4]  }
0x30: {  	s3 =	sld [smem:$0x3FA7]  }
0x31: {  	[smem:$0x3FB0] =	sst s10  }
0x32: {  	s10 =	sld [smem:$0x3FAE];
	_ =	sdelay $0x3  }
0x33: {  	p0 =	seq.s32 s10, $0x1;
	s10 =	sld [smem:$0x3FB0];
	_ =	sdelay $0x3  }
0x34: {  	[smem:$0x3FB0] =	sst s10  }
0x35: {  	s10 =	sld [smem:$0x3FAF];
	_ =	sdelay $0x3  }
0x36: {  	p1 =	seq.s32 s10, $0x1;
	s10 =	sld [smem:$0x3FB0];
	_ =	sdelay $0x3  }
0x37: {  	[smem:$0x3FB0] =	sst s10  }
0x38: {  	s10 =	sld [smem:$0x3FB1]  }
0x39: {  	_ = 	snop;
	(pc) =	sbr.ind lr, $3  }
0x3a: {  	_ = 	snop  }
0x3b: {  	_ = 	snop  }
0x3c: {  	p2 =	seq.s32 s10, $0x1;
	s10 =	sld [smem:$0x3FB0]  }
0x3d: {  	_ =	shalt  }
0x3e: {  	_ =	shalt  }
0x3f: {  	_ =	shalt  }
0x40: {  	_ =	shalt  }
0x41: {  	_ =	shalt  }
0x42: {  	_ =	shalt  }
0x43: {  	_ =	shalt  }
0x44: {  	_ =	shalt  }
0x45: {  	_ =	shalt  }
0x46: {  	_ =	shalt  }
0x47: {  	_ =	shalt  }
0x48: {  	_ =	shalt  }
0x49: {  	_ =	shalt  }
0x4a: {  	_ =	shalt  }
0x4b: {  	_ =	shalt  }
0x4c: {  	_ =	shalt  }
0x4d: {  	_ =	shalt  }
0x4e: {  	_ =	shalt  }
0x4f: {  	_ =	shalt  }
0x50: {  	_ =	shalt  }
0x51: {  	_ =	shalt  }
0x52: {  	_ =	shalt  }
0x53: {  	_ =	shalt  }
0x54: {  	_ =	shalt  }
0x55: {  	_ =	shalt  }
0x56: {  	_ =	shalt  }
0x57: {  	_ =	shalt  }
0x58: {  	_ =	shalt  }
0x59: {  	_ =	shalt  }
0x5a: {  	_ =	shalt  }
0x5b: {  	_ =	shalt  }
0x5c: {  	_ =	shalt  }
0x5d: {  	_ =	shalt  }
0x5e: {  	_ =	shalt  }
0x5f: {  	_ =	shalt  }
0x60: {  	_ =	shalt  }
0x61: {  	_ =	shalt  }
0x62: {  	_ =	shalt  }
0x63: {  	_ =	shalt  }
0x64: {  	_ =	shalt  }
0x65: {  	_ =	shalt  }
0x66: {  	_ =	shalt  }
0x67: {  	_ =	shalt  }
0x68: {  	_ =	shalt  }
0x69: {  	_ =	shalt  }
0x6a: {  	_ =	shalt  }
0x6b: {  	_ =	shalt  }
0x6c: {  	_ =	shalt  }
0x6d: {  	_ =	shalt  }
0x6e: {  	_ =	shalt  }
0x6f: {  	_ =	shalt  }
0x70: {  	_ =	shalt  }
0x71: {  	_ =	shalt  }
0x72: {  	_ =	shalt  }
0x73: {  	_ =	shalt  }
0x74: {  	_ =	shalt  }
0x75: {  	_ =	shalt  }
0x76: {  	_ =	shalt  }
0x77: {  	_ =	shalt  }
0x78: {  	_ =	shalt  }
0x79: {  	_ =	shalt  }
0x7a: {  	_ =	shalt  }
0x7b: {  	_ =	shalt  }
0x7c: {  	_ =	shalt  }
0x7d: {  	_ =	shalt  }
0x7e: {  	_ =	shalt  }
0x7f: {  	_ =	shalt  }
0x80: {  	_ =	shalt  }
0x81: {  	_ =	shalt  }
0x82: {  	_ =	shalt  }
0x83: {  	_ =	shalt  }
0x84: {  	_ =	shalt  }
0x85: {  	_ =	shalt  }
0x86: {  	_ =	shalt  }
0x87: {  	_ =	shalt  }
.Lfunc_end0:
.L_simem_size_0:
called_computation.3_lowered:
.L_overlay_start_0:
0x88: {  	s2 =	sld [smem:$0x3FD9]  }
0x89: {  	s3 =	sld [smem:$0x3FFE];
	_ =	sdelay $0x1  }
0x8a: {  	s1 =	srdreg.scid  }
0x8b: {  	s0 =	sand.u32 $0x1, s1  }
0x8c: {  	s14 =	sshll.u32 s0, $0xA;
	s2 =	sadd.s32 s3, s2  }
0x8d: {  	s2 =	sadd.s32 s2, s14  }
0x8e: {  	[smem:$0x3FBC] =	sst s2  }
0x8f: {  	_ = 	snop  }
0x90: {  	s2 =	sld [smem:$0x3FD0];
	_ =	sdelay $0x2  }
0x91: {  	s15 =	simm.s32 $0xA;
	s4 =	simm.s32 $0x10  }
0x92: {  	[smem:s4], [sflag:s15] =	dma.local [hbm:s2], $0x1  }
0x93: {  	_ =	swait.eq [sflag:s15], $0x1  }
0x94: {  	[sflag:s15] =	ssyncset.done $0x0  }
0x95: {  	s16 =	sld [smem:$0x10];
	[sflag:s15] =	ssyncadd.s32 $0xFFFFFFFF  }
0x96: {  	s17 =	sld [smem:$0x11];
	(tm) =	ssettm $0x1  }
0x97: {  	s18 =	sld [smem:$0x3FFB];
	_ =	sdelay $0x3  }
0x98: {  	_ =	strace s18  }
0x99: {  	s4 =	sld [smem:$0x3FFC];
	_ =	sdelay $0x3  }
0x9a: {  	_ =	strace s4  }
0x9b: {  	s4 =	sld [smem:$0x3FFD];
	_ =	sdelay $0x3  }
0x9c: {  	_ =	strace s4  }
0x9d: {  	_ =	strace $0x8FFFFFFF  }
0x9e: {  	s19 =	sld [smem:$0x3FDB];
	_ =	sdelay $0x1  }
0x9f: {  	s5 =	simm.s32 $_scs_section_size  }
0xa0: {  	s6 =	simm.s32 $_size__tile_overlayer_lowered;
	s7 =	simm.s32 $_tile_overlayer_lowered  }
0xa1: {  	s22 =	simm.s32 $0x1BFF;
	s21 =	sshll.u32 s7, $0x1;
	s4 =	sadd.s32 s5, s19  }
0xa2: {  	s8 =	simm.s32 $0x0;
	s20 =	sshll.u32 s6, $0x1;
	s6 =	sadd.s32 s21, s4  }
0xa3: {  	[timem:s8], [sflag:s22] =	dma.local [hbm:s6], s20  }
0xa4: {  	_ =	swait.ge [sflag:s22], s20  }
0xa5: {  	s5 =	ssub.s32 $0x0, s20;
	[sflag:s22] =	ssyncset.done $0x0  }
0xa6: {  	[sflag:s22] =	ssyncadd.s32 s5;
	_ =	sdelay $0x1  }
0xa7: {  	s23 =	simm.s32 $0x1B8B  }
0xa8: {  	_ =	swait.ge [sflag:s23], $0x1  }
0xa9: {  	[sflag:s23] =	ssyncset.done $0x0  }
0xaa: {  	s25 =	simm.s32 $0x1B8E;
	s24 =	sld [smem:$0x3FFE];
	[sflag:s23] =	ssyncadd.s32 $0xFFFFFFFF  }
0xab: {  	s26 =	simm.s32 $execute0_lowered;
	[smem:$0x3FD2] =	sst s25  }
0xac: {  	s6 =	sshll.u32 s26, $0x1;
	_ =	strace $0x8000004F;
	[dreg:$0x1] =	wrdreg $0xFFFFFFFF  }
0xad: {  	s28 =	simm.s32 $_size_execute0_lowered;
	s4 =	sadd.s32 s4, s6;
	[dreg:$0x0] =	wrdreg $0x0  }
0xae: {  	s6 =	sshll.u32 s28, $0x1;
	[dreg:$0x2] =	wrdreg s4  }
0xaf: {  	[dreg:$0x3] =	wrdreg s6  }
0xb0: {  	[dreg:$0x4] =	wrdreg $0xC0  }
0xb1: {  	_ =	task [dreg:s8], $0x5FFFF  }
0xb2: {  	[dreg:$0x1] =	wrdreg $0xFFFFFFFF  }
0xb3: {  	[dreg:$0x0] =	wrdreg $0x60  }
0xb4: {  	[dreg:$0x2] =	wrdreg s24  }
0xb5: {  	[dreg:$0x3] =	wrdreg s17  }
0xb6: {  	[dreg:$0x4] =	wrdreg s16  }
0xb7: {  	[dreg:$0x5] =	wrdreg $0x41000  }
0xb8: {  	[dreg:$0x6] =	wrdreg $0x9  }
0xb9: {  	_ =	task.clear_ibuf [dreg:s8], $0x7FFFF;
	_ =	strace $0x9000004F  }
0xba: {  	s29 =	simm.s32 $0x9;
	_ =	strace $0x80000051  }
0xbb: {  	_ =	swait.ge [sflag:s29], $0x1  }
0xbc: {  	[sflag:s29] =	ssyncadd.s32 $0xFFFFFFFF  }
0xbd: {  	_ =	strace $0x90000051  }
0xbe: {  	_ =	sfence  }
0xbf: {  	s30 =	sld [smem:$0x0];
	_ =	sdelay $0x2  }
0xc0: {  	s31 =	sshll.u32 s1, $0xD;
	s1 =	sshrl.u32 s1, $0x2  }
0xc1: {  	s3 =	sand.u32 $0x4000, s31;
	s1 =	sadd.s32 s1, s30  }
0xc2: {  	s0 =	sor.u32 s3, s0;
	s1 =	sshll.u32 s1, $0x11  }
0xc3: {  	s0 =	sor.u32 s1, s0  }
0xc4: {  	s0 =	sadd.s32 $0x8F2B, s0  }
0xc5: {  	[sflag:s0] =	ssyncadd.remote.s32 $0x1  }
0xc6: {  	_ =	sfence.sel $0xFFFF  }
0xc7: {  	[dreg:$0x0] =	wrdreg $0xFFFFFFFF;
	(pc) =	sbr.abs _section_cstart, $3  }
0xc8: {  	[dreg:$0x1] =	wrdreg $0xFFFFFFFF  }
0xc9: {  	_ =	task.clear_ibuf [dreg:s8], $0x2FFFF;
	_ =	strace $0x9FFFFFFF  }
0xca: {  	(tm) =	ssettm $0x7FFFFFFF  }
0xcb: {  	_ =	shalt  }
tec
execute0_lowered:
.L_overlay_start_1:
0x0: {  	(tag) =	ssettag $0x1  }
0x1: {  	s5 =	rddreg [dreg:$0x0]  }
0x2: {  	s10 =	rddreg [dreg:$0x1]  }
0x3: {  	s8 =	rddreg [dreg:$0x2]  }
0x4: {  	s2 =	rddreg [dreg:$0x3]  }
0x5: {  	s0 =	rddreg [dreg:$0x4];
	s1 =	stileid.u32  }
0x6: {  	s4 =	srdreg.scid;
	s3 =	simm.s32 $0x0;
	s6 =	smul.u32 $0x2800, s1  }
0x7: {  	s15 =	simm.s32 $0x0;
	s7 =	sand.u32 $0x1, s4;
	s11 =	smul.u32 $0x50000, s1  }
0x8: {  	[smem:$0x7FF] =	sst s3;
	s4 =	sadd.s32 $0x7C800, s5;
	s30 =	smul.u32 $0x500, s1  }
0x9: {  	s29 =	sshll.u32 s1, $0x6;
	s9 =	smul.u32 $0x28000, s7;
	_ =	strace $0x80000050  }
0xa: {  	s25 =	ssub.s32 $0x2, s7;
	s14 =	smul.u32 $0x5000, s7;
	s12 =	sadd.s32 s6, s5  }
0xb: {  	s26 =	sshrl.u32 s25, $0x1;
	s28 =	sshrl.u32 s11, $0x2;
	s6 =	sadd.s32 s6, s9  }
0xc: {  	s9 =	ssub.s32 s25, s26;
	s11 =	sadd.s32 s28, s2;
	s31 =	sadd.s32 s14, s8  }
0xd: {  	s10 =	sadd.s32 s14, s10;
	s14 =	simm.s32 $0x100;
	s13 =	sadd.s32 s6, s5  }
0xe: {  	s5 =	sadd.s32 $0x4000, s12;
	s6 =	sor.u32 $0x1C01, s29;
	s8 =	smax.u32 s9, $0x1  }
0xf: {  	s9 =	sadd.s32 s30, s31;
	s10 =	sadd.s32 s30, s10;
	s11 =	sshrl.u32 s11, $0x3  }
0x10: {  	s12 =	simm.s32 $0x1;
	s7 =	sadd.s32 $0xA4800, s13;
	s13 =	simm.s32 $0x80  }
.LBB2_1:
0x11: {  	[spmem:s11], [sflag:s6] =	dma.local [hbm:s5], $0x2800  }
0x12: {  	_ =	swait.ge [sflag:s12], $0x2800  }
0x13: {  	[sflag:s12] =	ssyncset.done $0x0  }
0x14: {  	[sflag:s12] =	ssyncadd.s32 $0xFFFFD800  }
0x15: {  	s16 =	sadd.s32 $0x0, s10;
	[bflag:$0x0] =	sbarrier.arrive $0xFFFF  }
0x16: {  	[tilespmem:s3], [sflag:$0x1] =	stream.linear.gather [hbm4b:s16+s3], $0x80, $0x38;
	[tilespmem:$0x18100] =	vst v63  }
0x17: {  	_ =	swait.ge [sflag:s12], $0x80  }
0x18: {  	[sflag:s12] =	ssyncset.done $0x0  }
0x19: {  	s31 =	sadd.s32 $0x0, s9;
	[sflag:s12] =	ssyncadd.s32 $0xFFFFFF80  }
0x1a: {  	[tilespmem:s13], [sflag:$0x1] =	stream.linear.gather [hbm4b:s31+s3], $0x80, $0x38;
	[tilespmem:$0x18100] =	vst v63  }
0x1b: {  	_ =	swait.ge [sflag:s12], $0x80  }
0x1c: {  	[sflag:s12] =	ssyncset.done $0x0  }
0x1d: {  	[sflag:s12] =	ssyncadd.s32 $0xFFFFFF80  }
0x1e: {  	[tilespmem:s14], [sflag:$0x1] =	stream.indirect.gather [hbm4b:s4+s13], $0x80, s3, s13, $0xb8;
	[tilespmem:$0x18100] =	vst v63  }
0x1f: {  	_ =	swait.ge [sflag:s12], $0x4000  }
0x20: {  	[sflag:s12] =	ssyncset.done $0x0  }
0x21: {  	[sflag:s12] =	ssyncadd.s32 $0xFFFFC000  }
0x22: {  	[spmem:s2] =	stream.indirect.scatter.add.f32 [tilespmem:s14], [sflag:$0x1], $0x80, s13, s13, $0xb8;
	[tilespmem:$0x18100] =	vst v63  }
0x23: {  	_ =	swait.ge [sflag:s12], $0x4000  }
0x24: {  	s17 =	simm.s32 $0x20;
	s16 =	simm.s32 $0x10;
	[sflag:s12] =	ssyncset.done $0x0  }
.LBB2_2:
0x25: {  	s18 =	sadd.s32 s16, s10  }
0x26: {  	[sflag:s12] =	ssyncadd.s32 $0xFFFFC000;
	s19 =	smov.u32 s17;
	s20 =	sadd.s32 $0x10, s17  }
0x27: {  	[tilespmem:s3], [sflag:$0x1] =	stream.linear.gather [hbm4b:s18+s3], $0x80, $0x38;
	[tilespmem:$0x18100] =	vst v63  }
0x28: {  	p0 =	sne.s32 s17, $0x4F0;
	_ =	swait.ge [sflag:s12], $0x80  }
0x29: {  	[sflag:s12] =	ssyncset.done $0x0  }
0x2a: {  	s17 =	sadd.s32 s16, s9;
	s16 =	smov.u32 s19;
	[sflag:s12] =	ssyncadd.s32 $0xFFFFFF80  }
0x2b: {  	[tilespmem:s13], [sflag:$0x1] =	stream.linear.gather [hbm4b:s17+s3], $0x80, $0x38;
	[tilespmem:$0x18100] =	vst v63  }
0x2c: {  	_ =	swait.ge [sflag:s12], $0x80  }
0x2d: {  	[sflag:s12] =	ssyncset.done $0x0  }
0x2e: {  	[sflag:s12] =	ssyncadd.s32 $0xFFFFFF80  }
0x2f: {  	[tilespmem:s14], [sflag:$0x1] =	stream.indirect.gather [hbm4b:s4+s13], $0x80, s3, s13, $0xb8;
	[tilespmem:$0x18100] =	vst v63  }
0x30: {  	_ =	swait.ge [sflag:s12], $0x4000  }
.Ltmp0:
0x31: {  	[sflag:s12] =	ssyncset.done $0x0;
	(pc) =	sbr.rel @p0 .LBB2_2-.Ltmp0, $4  }
0x32: {  	[sflag:s12] =	ssyncadd.s32 $0xFFFFC000  }
0x33: {  	[spmem:s2] =	stream.indirect.scatter.add.f32 [tilespmem:s14], [sflag:$0x1], $0x80, s13, s13, $0xb8;
	[tilespmem:$0x18100] =	vst v63  }
0x34: {  	_ =	swait.ge [sflag:s12], $0x4000  }
0x35: {  	s17 =	smov.u32 s20;
	[sflag:s12] =	ssyncset.done $0x0  }
0x36: {  	s17 =	sadd.s32 s16, s10;
	[sflag:s12] =	ssyncadd.s32 $0xFFFFC000  }
0x37: {  	[tilespmem:s3], [sflag:$0x1] =	stream.linear.gather [hbm4b:s17+s3], $0x80, $0x38;
	[tilespmem:$0x18100] =	vst v63  }
0x38: {  	_ =	swait.ge [sflag:s12], $0x80  }
0x39: {  	[sflag:s12] =	ssyncset.done $0x0  }
0x3a: {  	s31 =	sadd.s32 s16, s9;
	[sflag:s12] =	ssyncadd.s32 $0xFFFFFF80  }
0x3b: {  	[tilespmem:s13], [sflag:$0x1] =	stream.linear.gather [hbm4b:s31+s3], $0x80, $0x38;
	[tilespmem:$0x18100] =	vst v63  }
0x3c: {  	_ =	swait.ge [sflag:s12], $0x80  }
0x3d: {  	[sflag:s12] =	ssyncset.done $0x0  }
0x3e: {  	[sflag:s12] =	ssyncadd.s32 $0xFFFFFF80  }
0x3f: {  	[tilespmem:s14], [sflag:$0x1] =	stream.indirect.gather [hbm4b:s4+s13], $0x80, s3, s13, $0xb8;
	[tilespmem:$0x18100] =	vst v63  }
0x40: {  	_ =	swait.ge [sflag:s12], $0x4000  }
0x41: {  	[sflag:s12] =	ssyncset.done $0x0  }
0x42: {  	[sflag:s12] =	ssyncadd.s32 $0xFFFFC000  }
0x43: {  	[spmem:s2] =	stream.indirect.scatter.add.f32 [tilespmem:s14], [sflag:$0x1], $0x80, s13, s13, $0xb8;
	[tilespmem:$0x18100] =	vst v63  }
0x44: {  	_ =	swait.ge [sflag:s12], $0x4000  }
0x45: {  	s15 =	sadd.s32 $0x1, s15;
	[sflag:s12] =	ssyncset.done $0x0  }
0x46: {  	p0 =	sne.s32 s15, s8;
	[sflag:s12] =	ssyncadd.s32 $0xFFFFC000  }
.Ltmp1:
0x47: {  	[bflag:$0x0] =	sbarrier.arrive $0xFFFF;
	(pc) =	sbr.rel @p0 .LBB2_1-.Ltmp1, $4  }
0x48: {  	[hbm:s7], [sflag:s6] =	dma.local [spmem:s11], $0x2800  }
0x49: {  	_ =	swait.ge [sflag:s12], $0x2800  }
0x4a: {  	[sflag:s12] =	ssyncset.done $0x0  }
0x4b: {  	[sflag:s12] =	ssyncadd.s32 $0xFFFFD800  }
0x4c: {  	_ =	sfence.sel $0x180000  }
0x4d: {  	[bflag:$0x0] =	sbarrier.arrive $0xFFFF  }
0x4e: {  	p0 =	sne.s32 s1, $0x0;
	_ =	strace $0x90000050  }
0x4f: {  	s0 =	sadd.s32 @!p0 $0x100000, s0;
	[bflag:$0x2] =	sbarrier.arrive $0xFFFF  }
0x50: {  	[sflag:s0] =	ssyncadd.tile.s32 @!p0 $0x1;
	_ =	shalt  }
.Lfunc_end2:
_tile_overlayer_lowered:
.L_overlay_start_2:
0x51: {  	(tag) =	ssettag $0x2  }
0x52: {  	s0 =	rddreg [dreg:$0x0];
	s2 =	stileid.u32  }
0x53: {  	s1 =	rddreg [dreg:$0x1];
	p0 =	sne.s32 s2, $0x0  }
0x54: {  	s3 =	rddreg [dreg:$0x2];
	[bflag:$0x3] =	sbarrier.arrive $0xFFFF;
	s2 =	simm.s32 @!p0 $0x1C01  }
0x55: {  	[timem:s3], [sflag:s2] =	dma.local @!p0 [hbm:s0], s1  }
0x56: {  	s0 =	simm.s32 @!p0 $0x1  }
0x57: {  	_ =	swait.ge @!p0 [sflag:s0], s1  }
0x58: {  	s1 =	ssub.s32 @!p0 $0x0, s1;
	[sflag:s0] =	ssyncset.done @!p0 $0x0  }
0x59: {  	[sflag:s0] =	ssyncadd.s32 @!p0 s1  }
0x5a: {  	[bflag:$0x3] =	sbarrier.arrive $0xFFFF  }
0x5b: {  	_ =	shalt  }

</sc_bundles>
